<compile_context>
chip_gen: v7x
topology: tpu7x:2x2x1
jax: 0.10.2.dev20260603
libtpu: 0.0.44.dev20260713+nightly
codegen_flags: <defaults>
</compile_context>

<pallas_src>
import functools

import jax
import jax.numpy as jnp
from jax import lax
from jax.experimental import pallas as pl
from jax.experimental.pallas import tpu as pltpu
from jax.experimental.pallas import tpu_sc as plsc

N_NODES = 10000
D = 128
E_EDGES = 320000
NC = 2
NS = 16
LANES = 16
N_PAD = 10240
ROWS_PER_SUB = N_PAD // NS
E_PER_SUB = E_EDGES // NS
CHUNK = 80
N_CHUNKS = E_PER_SUB // CHUNK
GROUPS = CHUNK // LANES
NEG_SLOPE = 0.2

_mesh = plsc.VectorSubcoreMesh(core_axis_name="c", subcore_axis_name="s",
                               num_cores=NC, num_subcores=NS)


def _gat_body(feat_cat, src_g, dst_g, dst_l, out_hbm, den_hbm,
              sidx_v, dgidx_v, didx_v, srows, drows, pbuf, exbuf,
              denom_v, red_v, acc_sh, sem_s, sem_d):
    c = lax.axis_index("c")
    s = lax.axis_index("s")
    zero16 = jnp.zeros((LANES,), jnp.float32)
    iota16 = lax.iota(jnp.int32, LANES)

    def _z_denom(i, _):
        denom_v[pl.ds(i * LANES, LANES)] = zero16
        return 0
    lax.fori_loop(0, N_PAD // LANES, _z_denom, 0)

    def _z_srows(i, _):
        r = i // (D // LANES)
        f = i % (D // LANES)
        srows[r, pl.ds(f * LANES, LANES)] = zero16
        return 0
    lax.fori_loop(0, CHUNK * (D // LANES), _z_srows, 0)

    row0 = s * ROWS_PER_SUB
    for b in range(ROWS_PER_SUB // CHUNK):
        pltpu.sync_copy(srows, acc_sh.at[pl.ds(row0 + b * CHUNK, CHUNK)])
    plsc.subcore_barrier()

    def _chunk(k, _):
        base = c * E_EDGES + s * E_PER_SUB + k * CHUNK
        pltpu.sync_copy(src_g.at[pl.ds(base, CHUNK)], sidx_v)
        pltpu.sync_copy(dst_g.at[pl.ds(base, CHUNK)], dgidx_v)
        pltpu.sync_copy(dst_l.at[pl.ds(base, CHUNK)], didx_v)
        cp_s = pltpu.async_copy(feat_cat.at[sidx_v], srows, sem_s)
        cp_d = pltpu.async_copy(feat_cat.at[dgidx_v], drows, sem_d)
        cp_s.wait()
        cp_d.wait()

        def _group(g, _):
            def _edge(e, _):
                i = g * LANES + e
                p = srows[i, pl.ds(0, LANES)] * drows[i, pl.ds(0, LANES)]
                for f in range(1, D // LANES):
                    p = p + (srows[i, pl.ds(f * LANES, LANES)]
                             * drows[i, pl.ds(f * LANES, LANES)])
                pbuf[pl.ds(e * LANES, LANES)] = p
                return 0
            lax.fori_loop(0, LANES, _edge, 0)
            rowbase = iota16 * LANES
            r = plsc.load_gather(pbuf, [rowbase])
            for f in range(1, LANES):
                r = r + plsc.load_gather(pbuf, [rowbase + f])
            el = jnp.where(r >= 0, r, r * NEG_SLOPE)
            ex = jnp.exp(el)
            exbuf[pl.ds(g * LANES, LANES)] = ex
            d16 = didx_v[pl.ds(g * LANES, LANES)]
            plsc.addupdate_scatter(denom_v, [d16], ex)
            return 0
        lax.fori_loop(0, GROUPS, _group, 0)

        def _scale(e, _):
            w = plsc.load_gather(exbuf, [jnp.full((LANES,), 0, jnp.int32) + e])
            for f in range(D // LANES):
                srows[e, pl.ds(f * LANES, LANES)] = (
                    srows[e, pl.ds(f * LANES, LANES)] * w)
            return 0
        lax.fori_loop(0, CHUNK, _scale, 0)

        pltpu.sync_copy(srows, acc_sh.at[didx_v], add=True)
        return 0
    lax.fori_loop(0, N_CHUNKS, _chunk, 0)
    plsc.subcore_barrier()

    pltpu.sync_copy(denom_v,
                    den_hbm.at[pl.ds((c * NS + s) * N_PAD, N_PAD)])
    plsc.subcore_barrier()
    col0 = s * ROWS_PER_SUB
    for i in range(NS):
        pltpu.sync_copy(
            den_hbm.at[pl.ds((c * NS + i) * N_PAD + col0, ROWS_PER_SUB)],
            red_v.at[i])

    def _red(j, _):
        t = red_v[0, pl.ds(j * LANES, LANES)]
        for i in range(1, NS):
            t = t + red_v[i, pl.ds(j * LANES, LANES)]
        denom_v[pl.ds(j * LANES, LANES)] = 1.0 / jnp.maximum(t, 1e-9)
        return 0
    lax.fori_loop(0, ROWS_PER_SUB // LANES, _red, 0)

    def _outblk(b, _):
        rbase = row0 + b * CHUNK
        pltpu.sync_copy(acc_sh.at[pl.ds(rbase, CHUNK)], srows)

        def _divrow(e, _):
            w = plsc.load_gather(
                denom_v, [jnp.full((LANES,), 0, jnp.int32) + (b * CHUNK + e)])
            for f in range(D // LANES):
                srows[e, pl.ds(f * LANES, LANES)] = (
                    srows[e, pl.ds(f * LANES, LANES)] * w)
            return 0
        lax.fori_loop(0, CHUNK, _divrow, 0)
        pltpu.sync_copy(srows, out_hbm.at[c, pl.ds(rbase, CHUNK)])
        return 0
    lax.fori_loop(0, ROWS_PER_SUB // CHUNK, _outblk, 0)


_gat_call = pl.kernel(
    _gat_body,
    out_type=(jax.ShapeDtypeStruct((NC, N_PAD, D), jnp.float32),
              jax.ShapeDtypeStruct((NC * NS * N_PAD,), jnp.float32)),
    mesh=_mesh,
    compiler_params=pltpu.CompilerParams(needs_layout_passes=False),
    scratch_types=[
        pltpu.VMEM((CHUNK,), jnp.int32),
        pltpu.VMEM((CHUNK,), jnp.int32),
        pltpu.VMEM((CHUNK,), jnp.int32),
        pltpu.VMEM((CHUNK, D), jnp.float32),
        pltpu.VMEM((CHUNK, D), jnp.float32),
        pltpu.VMEM((LANES * LANES,), jnp.float32),
        pltpu.VMEM((CHUNK,), jnp.float32),
        pltpu.VMEM((N_PAD,), jnp.float32),
        pltpu.VMEM((NS, ROWS_PER_SUB), jnp.float32),
        pltpu.VMEM_SHARED((N_PAD, D), jnp.float32),
        pltpu.SemaphoreType.DMA,
        pltpu.SemaphoreType.DMA,
    ],
)


def kernel(user_feat, item_feat, edge_index_u2i, edge_index_i2u):
    feat_cat = jnp.concatenate([user_feat, item_feat], axis=0)
    src_g = jnp.concatenate([edge_index_u2i[0], edge_index_i2u[0] + N_NODES])
    dst_g = jnp.concatenate([edge_index_u2i[1] + N_NODES, edge_index_i2u[1]])
    dst_l = jnp.concatenate([edge_index_u2i[1], edge_index_i2u[1]])
    out, _ = _gat_call(feat_cat, src_g, dst_g, dst_l)
    item_out = out[0, :N_NODES]
    user_out = out[1, :N_NODES]
    return (user_out, item_out)

# --- scband reference (transcript-rebuilt; emitter-appended) ---
"""Pipeline reference for scband-graph-attention-conv-80599356277298 (READ-ONLY COPY).

The authoritative reference and input builder live on the scoring server;
editing this copy changes nothing except your own understanding.
"""

import jax, jax.numpy as jnp
import numpy as np

NEG_SLOPE = 0.2

def _leaky_relu(x, slope=NEG_SLOPE):
    return jnp.where(x >= 0, x, slope * x)

def _gat_aggregate(src_emb, dst_emb, src_idx, dst_idx, n_dst, slope=NEG_SLOPE):
    # e = u_dot_v(src_emb, dst_emb) per edge
    e = jnp.sum(src_emb[src_idx] * dst_emb[dst_idx], axis=-1)  # [E]
    el = _leaky_relu(e, slope)
    # segment softmax over incoming edges of each dst node
    m = jax.ops.segment_max(el, dst_idx, num_segments=n_dst)
    m = jnp.where(jnp.isfinite(m), m, 0.0)
    ex = jnp.exp(el - m[dst_idx])
    denom = jax.ops.segment_sum(ex, dst_idx, num_segments=n_dst)
    a = ex / jnp.maximum(denom[dst_idx], 1e-9)
    out = jax.ops.segment_sum(a[:, None] * src_emb[src_idx], dst_idx, num_segments=n_dst)
    return out

def setup_inputs(seed: int = 0) -> dict:
    key = jax.random.key(seed)
    k1, k2, k3, k4 = jax.random.split(key, 4)
    n_user, n_item, d, E = 10000, 10000, 128, 320000
    user_feat = jax.random.normal(k1, (n_user, d), dtype=jnp.float32)
    item_feat = jax.random.normal(k2, (n_item, d), dtype=jnp.float32)
    edge_index_u2i = jax.random.randint(k3, (2, E), 0, n_user, dtype=jnp.int64 if jax.config.jax_enable_x64 else jnp.int32).astype(jnp.int32)
    edge_index_i2u = jax.random.randint(k4, (2, E), 0, n_item, dtype=jnp.int64 if jax.config.jax_enable_x64 else jnp.int32).astype(jnp.int32)
    return {"user_feat": user_feat, "item_feat": item_feat,
            "edge_index_u2i": edge_index_u2i, "edge_index_i2u": edge_index_i2u}

def reference(user_feat, item_feat, edge_index_u2i, edge_index_i2u):
    # etype (user -> item): dst type item
    item_out = _gat_aggregate(user_feat, item_feat,
                              edge_index_u2i[0], edge_index_u2i[1],
                              item_feat.shape[0])
    # etype (item -> user): dst type user
    user_out = _gat_aggregate(item_feat, user_feat,
                              edge_index_i2u[0], edge_index_i2u[1],
                              user_feat.shape[0])
    return (user_out, item_out)

if __name__ == "__main__":
    import jax
    _d = setup_inputs()
    print(jax.jit(kernel)(*tuple(_d.values())))

</pallas_src>

<mosaic_0001>
#map = affine_map<(d0, d1) -> (0, 0)>
#map1 = affine_map<(d0, d1) -> (0)>
#map2 = affine_map<(d0, d1) -> (0, 0, 0)>
module attributes {stable_mosaic.version = 14 : i64} {
  func.func @_gat_body(%arg0: i32, %arg1: i32, %arg2: memref<20000x128xf32, #tpu.memory_space<hbm>>, %arg3: memref<640000xi32, #tpu.memory_space<hbm>>, %arg4: memref<640000xi32, #tpu.memory_space<hbm>>, %arg5: memref<640000xi32, #tpu.memory_space<hbm>>, %arg6: memref<2x10240x128xf32, #tpu.memory_space<hbm>>, %arg7: memref<327680xf32, #tpu.memory_space<hbm>>, %arg8: memref<80xi32, #tpu.memory_space<vmem>>, %arg9: memref<80xi32, #tpu.memory_space<vmem>>, %arg10: memref<80xi32, #tpu.memory_space<vmem>>, %arg11: memref<80x128xf32, #tpu.memory_space<vmem>>, %arg12: memref<80x128xf32, #tpu.memory_space<vmem>>, %arg13: memref<256xf32, #tpu.memory_space<vmem>>, %arg14: memref<80xf32, #tpu.memory_space<vmem>>, %arg15: memref<10240xf32, #tpu.memory_space<vmem>>, %arg16: memref<16x640xf32, #tpu.memory_space<vmem>>, %arg17: memref<10240x128xf32, #tpu.memory_space<vmem_shared>>, %arg18: memref<!tpu.dma_semaphore, #tpu.memory_space<semaphore_mem>>, %arg19: memref<!tpu.dma_semaphore, #tpu.memory_space<semaphore_mem>>) attributes {dimension_semantics = [#tpu.dimension_semantics<core_parallel>, #tpu.dimension_semantics<subcore_parallel>], iteration_bounds = array<i64: 2, 16>, scalar_prefetch = 0 : i64, scratch_operands = 12 : i64, tpu.core_type = #tpu.core_type<sc_vector_subcore>, window_params = [{transform_indices = #map}, {transform_indices = #map1}, {transform_indices = #map1}, {transform_indices = #map1}, {transform_indices = #map2}, {transform_indices = #map1}]} {
    %broadcast_in_dim3A = arith.constant 0.000000e+00 : f32
    %broadcast_in_dim3A_0 = vector.broadcast %broadcast_in_dim3A : f32 to vector<16xf32>
    %iota3A = tpu.iota {dimensions = array<i32: 0>} : vector<16xi32>
    %scan3A = arith.constant 0 : i32
    %scan3A_1 = arith.constant 0 : i32
    %scan3A_2 = arith.constant 640 : i32
    %scan3A_3 = arith.addi %scan3A_1, %scan3A_2 : i32
    %scan3A_4 = arith.constant 1 : i32
    %scan3A_5 = scf.for %scan3A_187 = %scan3A_1 to %scan3A_3 step %scan3A_4 iter_args(%scan3A_188 = %scan3A) -> (i32)  : i32 {
      %mul3A_189 = arith.constant 16 : i32
      %mul3A_190 = arith.muli %scan3A_187, %mul3A_189 : i32
      %swap3A = arith.index_cast %mul3A_190 : i32 to index
      %swap3A_191 = tpu.vector_load %arg15[%swap3A] {strides = array<i32>} : memref<10240xf32, #tpu.memory_space<vmem>>, vector<16xf32>,
      tpu.vector_store %arg15[%swap3A], %broadcast_in_dim3A_0 {strides = array<i32>} : memref<10240xf32, #tpu.memory_space<vmem>>, vector<16xf32>,
      %scan3A_192 = arith.constant 0 : i32
      scf.yield %scan3A_192 : i32
    }
    %scan3A_6 = arith.constant 640 : i32
    %scan3A_7 = arith.constant 0 : i32
    %scan3A_8 = arith.constant 0 : i32
    %scan3A_9 = arith.constant 640 : i32
    %scan3A_10 = arith.addi %scan3A_8, %scan3A_9 : i32
    %scan3A_11 = arith.constant 1 : i32
    %scan3A_12 = scf.for %scan3A_187 = %scan3A_8 to %scan3A_10 step %scan3A_11 iter_args(%scan3A_188 = %scan3A_7) -> (i32)  : i32 {
      %jit3A = arith.constant 8 : i32
      %div3A = arith.divsi %scan3A_187, %jit3A : i32
      %sign3A = arith.constant 0 : i32
      %sign3A_189 = arith.cmpi sgt, %scan3A_187, %sign3A : i32
      %sign3A_190 = arith.extui %sign3A_189 : i1 to i32
      %sign3A_191 = arith.constant 0 : i32
      %sign3A_192 = arith.cmpi slt, %scan3A_187, %sign3A_191 : i32
      %sign3A_193 = arith.extui %sign3A_192 : i1 to i32
      %sign3A_194 = arith.subi %sign3A_190, %sign3A_193 : i32
      %sign3A_195 = arith.constant 0 : i32
      %sign3A_196 = arith.cmpi sgt, %jit3A, %sign3A_195 : i32
      %sign3A_197 = arith.extui %sign3A_196 : i1 to i32
      %sign3A_198 = arith.constant 0 : i32
      %sign3A_199 = arith.cmpi slt, %jit3A, %sign3A_198 : i32
      %sign3A_200 = arith.extui %sign3A_199 : i1 to i32
      %sign3A_201 = arith.subi %sign3A_197, %sign3A_200 : i32
      %ne3A = arith.cmpi ne, %sign3A_194, %sign3A_201 : i32
      %rem3A = arith.remsi %scan3A_187, %jit3A : i32
      %ne3A_202 = arith.constant 0 : i32
      %ne3A_203 = arith.cmpi ne, %rem3A, %ne3A_202 : i32
      %and3A = arith.andi %ne3A, %ne3A_203 : i1
      %sub3A = arith.constant 1 : i32
      %sub3A_204 = arith.subi %div3A, %sub3A : i32
      %select_n3A = arith.select %and3A, %sub3A_204, %div3A : i32
      %jit3A_205 = arith.constant 8 : i32
      %eq3A = arith.constant 0 : i32
      %eq3A_206 = arith.cmpi eq, %jit3A_205, %eq3A : i32
      %jit3A_207 = arith.constant 1 : i32
      %select_n3A_208 = arith.select %eq3A_206, %jit3A_207, %jit3A_205 : i32
      %rem3A_209 = arith.remsi %scan3A_187, %select_n3A_208 : i32
      %ne3A_210 = arith.constant 0 : i32
      %ne3A_211 = arith.cmpi ne, %rem3A_209, %ne3A_210 : i32
      %lt3A = arith.constant 0 : i32
      %lt3A_212 = arith.cmpi slt, %rem3A_209, %lt3A : i32
      %lt3A_213 = arith.constant 0 : i32
      %lt3A_214 = arith.cmpi slt, %select_n3A_208, %lt3A_213 : i32
      %ne3A_215 = arith.xori %lt3A_212, %lt3A_214 : i1
      %and3A_216 = arith.andi %ne3A_215, %ne3A_211 : i1
      %add3A_217 = arith.addi %rem3A_209, %select_n3A_208 : i32
      %select_n3A_218 = arith.select %and3A_216, %add3A_217, %rem3A_209 : i32
      %mul3A_219 = arith.constant 16 : i32
      %mul3A_220 = arith.muli %select_n3A_218, %mul3A_219 : i32
      %swap3A = arith.index_cast %select_n3A : i32 to index
      %swap3A_221 = arith.index_cast %mul3A_220 : i32 to index
      %swap3A_222 = tpu.vector_load %arg11[%swap3A, %swap3A_221] {strides = array<i32>} : memref<80x128xf32, #tpu.memory_space<vmem>>, vector<16xf32>,
      tpu.vector_store %arg11[%swap3A, %swap3A_221], %broadcast_in_dim3A_0 {strides = array<i32>} : memref<80x128xf32, #tpu.memory_space<vmem>>, vector<16xf32>,
      %scan3A_223 = arith.constant 0 : i32
      scf.yield %scan3A_223 : i32
    }
    %scan3A_13 = arith.constant 640 : i32
    %mul3A = arith.constant 640 : i32
    %mul3A_14 = arith.muli %arg1, %mul3A : i32
    %add3A = arith.constant 0 : i32
    %add3A_15 = arith.addi %mul3A_14, %add3A : i32
    "tpu.region"() ({
      %run_scoped3A_187 = tpu.sem_alloc : memref<!tpu.dma_semaphore, #tpu.memory_space<semaphore_mem>>
      %dma_start3A = arith.constant 0 : i32
      %dma_start3A_188 = tpu.memref_slice %arg17[%add3A_15, %dma_start3A] : memref<10240x128xf32, #tpu.memory_space<vmem_shared>> -> memref<80x128xf32, #tpu.memory_space<vmem_shared>>
      %dma_start3A_189 = arith.constant 0 : i32
      %dma_start3A_190 = tpu.memref_slice %arg17[%add3A_15, %dma_start3A_189] : memref<10240x128xf32, #tpu.memory_space<vmem_shared>> -> memref<80x128xf32, #tpu.memory_space<vmem_shared>>
      tpu.enqueue_dma source(%arg11 : memref<80x128xf32, #tpu.memory_space<vmem>>) target(%dma_start3A_190 : memref<80x128xf32, #tpu.memory_space<vmem_shared>>) target_semaphore(%run_scoped3A_187 : memref<!tpu.dma_semaphore, #tpu.memory_space<semaphore_mem>>)
      %dma_wait3A = arith.constant 0 : i32
      %dma_wait3A_191 = tpu.memref_slice %arg17[%add3A_15, %dma_wait3A] : memref<10240x128xf32, #tpu.memory_space<vmem_shared>> -> memref<80x128xf32, #tpu.memory_space<vmem_shared>>
      %dma_wait3A_192 = arith.constant 0 : i32
      %dma_wait3A_193 = tpu.memref_slice %arg17[%add3A_15, %dma_wait3A_192] : memref<10240x128xf32, #tpu.memory_space<vmem_shared>> -> memref<80x128xf32, #tpu.memory_space<vmem_shared>>
      tpu.wait_dma2 semaphore(%run_scoped3A_187 : memref<!tpu.dma_semaphore, #tpu.memory_space<semaphore_mem>>) src(%arg11 : memref<80x128xf32, #tpu.memory_space<vmem>>) dst(%dma_wait3A_193 : memref<80x128xf32, #tpu.memory_space<vmem_shared>>)
      tpu.yield
    }) : () -> ()
    %add3A_16 = arith.constant 80 : i32
    %add3A_17 = arith.addi %mul3A_14, %add3A_16 : i32
    "tpu.region"() ({
      %run_scoped3A_187 = tpu.sem_alloc : memref<!tpu.dma_semaphore, #tpu.memory_space<semaphore_mem>>
      %dma_start3A = arith.constant 0 : i32
      %dma_start3A_188 = tpu.memref_slice %arg17[%add3A_17, %dma_start3A] : memref<10240x128xf32, #tpu.memory_space<vmem_shared>> -> memref<80x128xf32, #tpu.memory_space<vmem_shared>>
      %dma_start3A_189 = arith.constant 0 : i32
      %dma_start3A_190 = tpu.memref_slice %arg17[%add3A_17, %dma_start3A_189] : memref<10240x128xf32, #tpu.memory_space<vmem_shared>> -> memref<80x128xf32, #tpu.memory_space<vmem_shared>>
      tpu.enqueue_dma source(%arg11 : memref<80x128xf32, #tpu.memory_space<vmem>>) target(%dma_start3A_190 : memref<80x128xf32, #tpu.memory_space<vmem_shared>>) target_semaphore(%run_scoped3A_187 : memref<!tpu.dma_semaphore, #tpu.memory_space<semaphore_mem>>)
      %dma_wait3A = arith.constant 0 : i32
      %dma_wait3A_191 = tpu.memref_slice %arg17[%add3A_17, %dma_wait3A] : memref<10240x128xf32, #tpu.memory_space<vmem_shared>> -> memref<80x128xf32, #tpu.memory_space<vmem_shared>>
      %dma_wait3A_192 = arith.constant 0 : i32
      %dma_wait3A_193 = tpu.memref_slice %arg17[%add3A_17, %dma_wait3A_192] : memref<10240x128xf32, #tpu.memory_space<vmem_shared>> -> memref<80x128xf32, #tpu.memory_space<vmem_shared>>
      tpu.wait_dma2 semaphore(%run_scoped3A_187 : memref<!tpu.dma_semaphore, #tpu.memory_space<semaphore_mem>>) src(%arg11 : memref<80x128xf32, #tpu.memory_space<vmem>>) dst(%dma_wait3A_193 : memref<80x128xf32, #tpu.memory_space<vmem_shared>>)
      tpu.yield
    }) : () -> ()
    %add3A_18 = arith.constant 160 : i32
    %add3A_19 = arith.addi %mul3A_14, %add3A_18 : i32
    "tpu.region"() ({
      %run_scoped3A_187 = tpu.sem_alloc : memref<!tpu.dma_semaphore, #tpu.memory_space<semaphore_mem>>
      %dma_start3A = arith.constant 0 : i32
      %dma_start3A_188 = tpu.memref_slice %arg17[%add3A_19, %dma_start3A] : memref<10240x128xf32, #tpu.memory_space<vmem_shared>> -> memref<80x128xf32, #tpu.memory_space<vmem_shared>>
      %dma_start3A_189 = arith.constant 0 : i32
      %dma_start3A_190 = tpu.memref_slice %arg17[%add3A_19, %dma_start3A_189] : memref<10240x128xf32, #tpu.memory_space<vmem_shared>> -> memref<80x128xf32, #tpu.memory_space<vmem_shared>>
      tpu.enqueue_dma source(%arg11 : memref<80x128xf32, #tpu.memory_space<vmem>>) target(%dma_start3A_190 : memref<80x128xf32, #tpu.memory_space<vmem_shared>>) target_semaphore(%run_scoped3A_187 : memref<!tpu.dma_semaphore, #tpu.memory_space<semaphore_mem>>)
      %dma_wait3A = arith.constant 0 : i32
      %dma_wait3A_191 = tpu.memref_slice %arg17[%add3A_19, %dma_wait3A] : memref<10240x128xf32, #tpu.memory_space<vmem_shared>> -> memref<80x128xf32, #tpu.memory_space<vmem_shared>>
      %dma_wait3A_192 = arith.constant 0 : i32
      %dma_wait3A_193 = tpu.memref_slice %arg17[%add3A_19, %dma_wait3A_192] : memref<10240x128xf32, #tpu.memory_space<vmem_shared>> -> memref<80x128xf32, #tpu.memory_space<vmem_shared>>
      tpu.wait_dma2 semaphore(%run_scoped3A_187 : memref<!tpu.dma_semaphore, #tpu.memory_space<semaphore_mem>>) src(%arg11 : memref<80x128xf32, #tpu.memory_space<vmem>>) dst(%dma_wait3A_193 : memref<80x128xf32, #tpu.memory_space<vmem_shared>>)
      tpu.yield
    }) : () -> ()
    %add3A_20 = arith.constant 240 : i32
    %add3A_21 = arith.addi %mul3A_14, %add3A_20 : i32
    "tpu.region"() ({
      %run_scoped3A_187 = tpu.sem_alloc : memref<!tpu.dma_semaphore, #tpu.memory_space<semaphore_mem>>
      %dma_start3A = arith.constant 0 : i32
      %dma_start3A_188 = tpu.memref_slice %arg17[%add3A_21, %dma_start3A] : memref<10240x128xf32, #tpu.memory_space<vmem_shared>> -> memref<80x128xf32, #tpu.memory_space<vmem_shared>>
      %dma_start3A_189 = arith.constant 0 : i32
      %dma_start3A_190 = tpu.memref_slice %arg17[%add3A_21, %dma_start3A_189] : memref<10240x128xf32, #tpu.memory_space<vmem_shared>> -> memref<80x128xf32, #tpu.memory_space<vmem_shared>>
      tpu.enqueue_dma source(%arg11 : memref<80x128xf32, #tpu.memory_space<vmem>>) target(%dma_start3A_190 : memref<80x128xf32, #tpu.memory_space<vmem_shared>>) target_semaphore(%run_scoped3A_187 : memref<!tpu.dma_semaphore, #tpu.memory_space<semaphore_mem>>)
      %dma_wait3A = arith.constant 0 : i32
      %dma_wait3A_191 = tpu.memref_slice %arg17[%add3A_21, %dma_wait3A] : memref<10240x128xf32, #tpu.memory_space<vmem_shared>> -> memref<80x128xf32, #tpu.memory_space<vmem_shared>>
      %dma_wait3A_192 = arith.constant 0 : i32
      %dma_wait3A_193 = tpu.memref_slice %arg17[%add3A_21, %dma_wait3A_192] : memref<10240x128xf32, #tpu.memory_space<vmem_shared>> -> memref<80x128xf32, #tpu.memory_space<vmem_shared>>
      tpu.wait_dma2 semaphore(%run_scoped3A_187 : memref<!tpu.dma_semaphore, #tpu.memory_space<semaphore_mem>>) src(%arg11 : memref<80x128xf32, #tpu.memory_space<vmem>>) dst(%dma_wait3A_193 : memref<80x128xf32, #tpu.memory_space<vmem_shared>>)
      tpu.yield
    }) : () -> ()
    %add3A_22 = arith.constant 320 : i32
    %add3A_23 = arith.addi %mul3A_14, %add3A_22 : i32
    "tpu.region"() ({
      %run_scoped3A_187 = tpu.sem_alloc : memref<!tpu.dma_semaphore, #tpu.memory_space<semaphore_mem>>
      %dma_start3A = arith.constant 0 : i32
      %dma_start3A_188 = tpu.memref_slice %arg17[%add3A_23, %dma_start3A] : memref<10240x128xf32, #tpu.memory_space<vmem_shared>> -> memref<80x128xf32, #tpu.memory_space<vmem_shared>>
      %dma_start3A_189 = arith.constant 0 : i32
      %dma_start3A_190 = tpu.memref_slice %arg17[%add3A_23, %dma_start3A_189] : memref<10240x128xf32, #tpu.memory_space<vmem_shared>> -> memref<80x128xf32, #tpu.memory_space<vmem_shared>>
      tpu.enqueue_dma source(%arg11 : memref<80x128xf32, #tpu.memory_space<vmem>>) target(%dma_start3A_190 : memref<80x128xf32, #tpu.memory_space<vmem_shared>>) target_semaphore(%run_scoped3A_187 : memref<!tpu.dma_semaphore, #tpu.memory_space<semaphore_mem>>)
      %dma_wait3A = arith.constant 0 : i32
      %dma_wait3A_191 = tpu.memref_slice %arg17[%add3A_23, %dma_wait3A] : memref<10240x128xf32, #tpu.memory_space<vmem_shared>> -> memref<80x128xf32, #tpu.memory_space<vmem_shared>>
      %dma_wait3A_192 = arith.constant 0 : i32
      %dma_wait3A_193 = tpu.memref_slice %arg17[%add3A_23, %dma_wait3A_192] : memref<10240x128xf32, #tpu.memory_space<vmem_shared>> -> memref<80x128xf32, #tpu.memory_space<vmem_shared>>
      tpu.wait_dma2 semaphore(%run_scoped3A_187 : memref<!tpu.dma_semaphore, #tpu.memory_space<semaphore_mem>>) src(%arg11 : memref<80x128xf32, #tpu.memory_space<vmem>>) dst(%dma_wait3A_193 : memref<80x128xf32, #tpu.memory_space<vmem_shared>>)
      tpu.yield
    }) : () -> ()
    %add3A_24 = arith.constant 400 : i32
    %add3A_25 = arith.addi %mul3A_14, %add3A_24 : i32
    "tpu.region"() ({
      %run_scoped3A_187 = tpu.sem_alloc : memref<!tpu.dma_semaphore, #tpu.memory_space<semaphore_mem>>
      %dma_start3A = arith.constant 0 : i32
      %dma_start3A_188 = tpu.memref_slice %arg17[%add3A_25, %dma_start3A] : memref<10240x128xf32, #tpu.memory_space<vmem_shared>> -> memref<80x128xf32, #tpu.memory_space<vmem_shared>>
      %dma_start3A_189 = arith.constant 0 : i32
      %dma_start3A_190 = tpu.memref_slice %arg17[%add3A_25, %dma_start3A_189] : memref<10240x128xf32, #tpu.memory_space<vmem_shared>> -> memref<80x128xf32, #tpu.memory_space<vmem_shared>>
      tpu.enqueue_dma source(%arg11 : memref<80x128xf32, #tpu.memory_space<vmem>>) target(%dma_start3A_190 : memref<80x128xf32, #tpu.memory_space<vmem_shared>>) target_semaphore(%run_scoped3A_187 : memref<!tpu.dma_semaphore, #tpu.memory_space<semaphore_mem>>)
      %dma_wait3A = arith.constant 0 : i32
      %dma_wait3A_191 = tpu.memref_slice %arg17[%add3A_25, %dma_wait3A] : memref<10240x128xf32, #tpu.memory_space<vmem_shared>> -> memref<80x128xf32, #tpu.memory_space<vmem_shared>>
      %dma_wait3A_192 = arith.constant 0 : i32
      %dma_wait3A_193 = tpu.memref_slice %arg17[%add3A_25, %dma_wait3A_192] : memref<10240x128xf32, #tpu.memory_space<vmem_shared>> -> memref<80x128xf32, #tpu.memory_space<vmem_shared>>
      tpu.wait_dma2 semaphore(%run_scoped3A_187 : memref<!tpu.dma_semaphore, #tpu.memory_space<semaphore_mem>>) src(%arg11 : memref<80x128xf32, #tpu.memory_space<vmem>>) dst(%dma_wait3A_193 : memref<80x128xf32, #tpu.memory_space<vmem_shared>>)
      tpu.yield
    }) : () -> ()
    %add3A_26 = arith.constant 480 : i32
    %add3A_27 = arith.addi %mul3A_14, %add3A_26 : i32
    "tpu.region"() ({
      %run_scoped3A_187 = tpu.sem_alloc : memref<!tpu.dma_semaphore, #tpu.memory_space<semaphore_mem>>
      %dma_start3A = arith.constant 0 : i32
      %dma_start3A_188 = tpu.memref_slice %arg17[%add3A_27, %dma_start3A] : memref<10240x128xf32, #tpu.memory_space<vmem_shared>> -> memref<80x128xf32, #tpu.memory_space<vmem_shared>>
      %dma_start3A_189 = arith.constant 0 : i32
      %dma_start3A_190 = tpu.memref_slice %arg17[%add3A_27, %dma_start3A_189] : memref<10240x128xf32, #tpu.memory_space<vmem_shared>> -> memref<80x128xf32, #tpu.memory_space<vmem_shared>>
      tpu.enqueue_dma source(%arg11 : memref<80x128xf32, #tpu.memory_space<vmem>>) target(%dma_start3A_190 : memref<80x128xf32, #tpu.memory_space<vmem_shared>>) target_semaphore(%run_scoped3A_187 : memref<!tpu.dma_semaphore, #tpu.memory_space<semaphore_mem>>)
      %dma_wait3A = arith.constant 0 : i32
      %dma_wait3A_191 = tpu.memref_slice %arg17[%add3A_27, %dma_wait3A] : memref<10240x128xf32, #tpu.memory_space<vmem_shared>> -> memref<80x128xf32, #tpu.memory_space<vmem_shared>>
      %dma_wait3A_192 = arith.constant 0 : i32
      %dma_wait3A_193 = tpu.memref_slice %arg17[%add3A_27, %dma_wait3A_192] : memref<10240x128xf32, #tpu.memory_space<vmem_shared>> -> memref<80x128xf32, #tpu.memory_space<vmem_shared>>
      tpu.wait_dma2 semaphore(%run_scoped3A_187 : memref<!tpu.dma_semaphore, #tpu.memory_space<semaphore_mem>>) src(%arg11 : memref<80x128xf32, #tpu.memory_space<vmem>>) dst(%dma_wait3A_193 : memref<80x128xf32, #tpu.memory_space<vmem_shared>>)
      tpu.yield
    }) : () -> ()
    %add3A_28 = arith.constant 560 : i32
    %add3A_29 = arith.addi %mul3A_14, %add3A_28 : i32
    "tpu.region"() ({
      %run_scoped3A_187 = tpu.sem_alloc : memref<!tpu.dma_semaphore, #tpu.memory_space<semaphore_mem>>
      %dma_start3A = arith.constant 0 : i32
      %dma_start3A_188 = tpu.memref_slice %arg17[%add3A_29, %dma_start3A] : memref<10240x128xf32, #tpu.memory_space<vmem_shared>> -> memref<80x128xf32, #tpu.memory_space<vmem_shared>>
      %dma_start3A_189 = arith.constant 0 : i32
      %dma_start3A_190 = tpu.memref_slice %arg17[%add3A_29, %dma_start3A_189] : memref<10240x128xf32, #tpu.memory_space<vmem_shared>> -> memref<80x128xf32, #tpu.memory_space<vmem_shared>>
      tpu.enqueue_dma source(%arg11 : memref<80x128xf32, #tpu.memory_space<vmem>>) target(%dma_start3A_190 : memref<80x128xf32, #tpu.memory_space<vmem_shared>>) target_semaphore(%run_scoped3A_187 : memref<!tpu.dma_semaphore, #tpu.memory_space<semaphore_mem>>)
      %dma_wait3A = arith.constant 0 : i32
      %dma_wait3A_191 = tpu.memref_slice %arg17[%add3A_29, %dma_wait3A] : memref<10240x128xf32, #tpu.memory_space<vmem_shared>> -> memref<80x128xf32, #tpu.memory_space<vmem_shared>>
      %dma_wait3A_192 = arith.constant 0 : i32
      %dma_wait3A_193 = tpu.memref_slice %arg17[%add3A_29, %dma_wait3A_192] : memref<10240x128xf32, #tpu.memory_space<vmem_shared>> -> memref<80x128xf32, #tpu.memory_space<vmem_shared>>
      tpu.wait_dma2 semaphore(%run_scoped3A_187 : memref<!tpu.dma_semaphore, #tpu.memory_space<semaphore_mem>>) src(%arg11 : memref<80x128xf32, #tpu.memory_space<vmem>>) dst(%dma_wait3A_193 : memref<80x128xf32, #tpu.memory_space<vmem_shared>>)
      tpu.yield
    }) : () -> ()
    %barrier3A = arith.constant 0 : index
    tpu.barrier barrier_id(%barrier3A)
    %scan3A_30 = arith.constant 0 : i32
    %scan3A_31 = arith.constant 0 : i32
    %scan3A_32 = arith.constant 250 : i32
    %scan3A_33 = arith.addi %scan3A_31, %scan3A_32 : i32
    %scan3A_34 = arith.constant 1 : i32
    %scan3A_35 = scf.for %scan3A_187 = %scan3A_31 to %scan3A_33 step %scan3A_34 iter_args(%scan3A_188 = %scan3A_30) -> (i32)  : i32 {
      %mul3A_189 = arith.constant 320000 : i32
      %mul3A_190 = arith.muli %arg0, %mul3A_189 : i32
      %mul3A_191 = arith.constant 20000 : i32
      %mul3A_192 = arith.muli %arg1, %mul3A_191 : i32
      %add3A_193 = arith.addi %mul3A_190, %mul3A_192 : i32
      %mul3A_194 = arith.constant 80 : i32
      %mul3A_195 = arith.muli %scan3A_187, %mul3A_194 : i32
      %add3A_196 = arith.addi %add3A_193, %mul3A_195 : i32
      "tpu.region"() ({
        %run_scoped3A_222 = tpu.sem_alloc : memref<!tpu.dma_semaphore, #tpu.memory_space<semaphore_mem>>
        %dma_start3A_223 = tpu.memref_slice %arg3[%add3A_196] : memref<640000xi32, #tpu.memory_space<hbm>> -> memref<80xi32, #tpu.memory_space<hbm>>
        %dma_start3A_224 = tpu.memref_slice %arg3[%add3A_196] : memref<640000xi32, #tpu.memory_space<hbm>> -> memref<80xi32, #tpu.memory_space<hbm>>
        tpu.enqueue_dma source(%dma_start3A_224 : memref<80xi32, #tpu.memory_space<hbm>>) target(%arg8 : memref<80xi32, #tpu.memory_space<vmem>>) target_semaphore(%run_scoped3A_222 : memref<!tpu.dma_semaphore, #tpu.memory_space<semaphore_mem>>)
        %dma_wait3A_225 = tpu.memref_slice %arg3[%add3A_196] : memref<640000xi32, #tpu.memory_space<hbm>> -> memref<80xi32, #tpu.memory_space<hbm>>
        %dma_wait3A_226 = tpu.memref_slice %arg3[%add3A_196] : memref<640000xi32, #tpu.memory_space<hbm>> -> memref<80xi32, #tpu.memory_space<hbm>>
        tpu.wait_dma2 semaphore(%run_scoped3A_222 : memref<!tpu.dma_semaphore, #tpu.memory_space<semaphore_mem>>) src(%dma_wait3A_226 : memref<80xi32, #tpu.memory_space<hbm>>) dst(%arg8 : memref<80xi32, #tpu.memory_space<vmem>>)
        tpu.yield
      }) : () -> ()
      "tpu.region"() ({
        %run_scoped3A_222 = tpu.sem_alloc : memref<!tpu.dma_semaphore, #tpu.memory_space<semaphore_mem>>
        %dma_start3A_223 = tpu.memref_slice %arg4[%add3A_196] : memref<640000xi32, #tpu.memory_space<hbm>> -> memref<80xi32, #tpu.memory_space<hbm>>
        %dma_start3A_224 = tpu.memref_slice %arg4[%add3A_196] : memref<640000xi32, #tpu.memory_space<hbm>> -> memref<80xi32, #tpu.memory_space<hbm>>
        tpu.enqueue_dma source(%dma_start3A_224 : memref<80xi32, #tpu.memory_space<hbm>>) target(%arg9 : memref<80xi32, #tpu.memory_space<vmem>>) target_semaphore(%run_scoped3A_222 : memref<!tpu.dma_semaphore, #tpu.memory_space<semaphore_mem>>)
        %dma_wait3A_225 = tpu.memref_slice %arg4[%add3A_196] : memref<640000xi32, #tpu.memory_space<hbm>> -> memref<80xi32, #tpu.memory_space<hbm>>
        %dma_wait3A_226 = tpu.memref_slice %arg4[%add3A_196] : memref<640000xi32, #tpu.memory_space<hbm>> -> memref<80xi32, #tpu.memory_space<hbm>>
        tpu.wait_dma2 semaphore(%run_scoped3A_222 : memref<!tpu.dma_semaphore, #tpu.memory_space<semaphore_mem>>) src(%dma_wait3A_226 : memref<80xi32, #tpu.memory_space<hbm>>) dst(%arg9 : memref<80xi32, #tpu.memory_space<vmem>>)
        tpu.yield
      }) : () -> ()
      "tpu.region"() ({
        %run_scoped3A_222 = tpu.sem_alloc : memref<!tpu.dma_semaphore, #tpu.memory_space<semaphore_mem>>
        %dma_start3A_223 = tpu.memref_slice %arg5[%add3A_196] : memref<640000xi32, #tpu.memory_space<hbm>> -> memref<80xi32, #tpu.memory_space<hbm>>
        %dma_start3A_224 = tpu.memref_slice %arg5[%add3A_196] : memref<640000xi32, #tpu.memory_space<hbm>> -> memref<80xi32, #tpu.memory_space<hbm>>
        tpu.enqueue_dma source(%dma_start3A_224 : memref<80xi32, #tpu.memory_space<hbm>>) target(%arg10 : memref<80xi32, #tpu.memory_space<vmem>>) target_semaphore(%run_scoped3A_222 : memref<!tpu.dma_semaphore, #tpu.memory_space<semaphore_mem>>)
        %dma_wait3A_225 = tpu.memref_slice %arg5[%add3A_196] : memref<640000xi32, #tpu.memory_space<hbm>> -> memref<80xi32, #tpu.memory_space<hbm>>
        %dma_wait3A_226 = tpu.memref_slice %arg5[%add3A_196] : memref<640000xi32, #tpu.memory_space<hbm>> -> memref<80xi32, #tpu.memory_space<hbm>>
        tpu.wait_dma2 semaphore(%run_scoped3A_222 : memref<!tpu.dma_semaphore, #tpu.memory_space<semaphore_mem>>) src(%dma_wait3A_226 : memref<80xi32, #tpu.memory_space<hbm>>) dst(%arg10 : memref<80xi32, #tpu.memory_space<vmem>>)
        tpu.yield
      }) : () -> ()
      %dma_start3A = arith.constant 0 : i32
      %dma_start3A_197 = arith.constant 0 : i32
      %dma_start3A_198 = tpu.memref_slice %arg2[%dma_start3A, %dma_start3A_197] : memref<20000x128xf32, #tpu.memory_space<hbm>> -> memref<20000x128xf32, #tpu.memory_space<hbm>>
      tpu.enqueue_indirect_dma source(%dma_start3A_198 : memref<20000x128xf32, #tpu.memory_space<hbm>>) target(%arg11 : memref<80x128xf32, #tpu.memory_space<vmem>>) offsets(%arg8 : memref<80xi32, #tpu.memory_space<vmem>>) semaphore(%arg18 : memref<!tpu.dma_semaphore, #tpu.memory_space<semaphore_mem>>)
      %dma_start3A_199 = arith.constant 0 : i32
      %dma_start3A_200 = arith.constant 0 : i32
      %dma_start3A_201 = tpu.memref_slice %arg2[%dma_start3A_199, %dma_start3A_200] : memref<20000x128xf32, #tpu.memory_space<hbm>> -> memref<20000x128xf32, #tpu.memory_space<hbm>>
      tpu.enqueue_indirect_dma source(%dma_start3A_201 : memref<20000x128xf32, #tpu.memory_space<hbm>>) target(%arg12 : memref<80x128xf32, #tpu.memory_space<vmem>>) offsets(%arg9 : memref<80xi32, #tpu.memory_space<vmem>>) semaphore(%arg19 : memref<!tpu.dma_semaphore, #tpu.memory_space<semaphore_mem>>)
      %dma_wait3A = arith.constant 0 : i32
      %dma_wait3A_202 = arith.constant 0 : i32
      %dma_wait3A_203 = tpu.memref_slice %arg2[%dma_wait3A, %dma_wait3A_202] : memref<20000x128xf32, #tpu.memory_space<hbm>> -> memref<20000x128xf32, #tpu.memory_space<hbm>>
      tpu.wait_indirect_dma semaphore(%arg18 : memref<!tpu.dma_semaphore, #tpu.memory_space<semaphore_mem>>) src(%dma_wait3A_203 : memref<20000x128xf32, #tpu.memory_space<hbm>>) dst(%arg11 : memref<80x128xf32, #tpu.memory_space<vmem>>)
      %dma_wait3A_204 = arith.constant 0 : i32
      %dma_wait3A_205 = arith.constant 0 : i32
      %dma_wait3A_206 = tpu.memref_slice %arg2[%dma_wait3A_204, %dma_wait3A_205] : memref<20000x128xf32, #tpu.memory_space<hbm>> -> memref<20000x128xf32, #tpu.memory_space<hbm>>
      tpu.wait_indirect_dma semaphore(%arg19 : memref<!tpu.dma_semaphore, #tpu.memory_space<semaphore_mem>>) src(%dma_wait3A_206 : memref<20000x128xf32, #tpu.memory_space<hbm>>) dst(%arg12 : memref<80x128xf32, #tpu.memory_space<vmem>>)
      %scan3A_207 = arith.constant 0 : i32
      %scan3A_208 = arith.constant 0 : i32
      %scan3A_209 = arith.constant 5 : i32
      %scan3A_210 = arith.addi %scan3A_208, %scan3A_209 : i32
      %scan3A_211 = arith.constant 1 : i32
      %scan3A_212 = scf.for %scan3A_222 = %scan3A_208 to %scan3A_210 step %scan3A_211 iter_args(%scan3A_223 = %scan3A_207) -> (i32)  : i32 {
        %scan3A_224 = arith.constant 0 : i32
        %scan3A_225 = arith.constant 0 : i32
        %scan3A_226 = arith.constant 16 : i32
        %scan3A_227 = arith.addi %scan3A_225, %scan3A_226 : i32
        %scan3A_228 = arith.constant 1 : i32
        %scan3A_229 = scf.for %scan3A_321 = %scan3A_225 to %scan3A_227 step %scan3A_228 iter_args(%scan3A_322 = %scan3A_224) -> (i32)  : i32 {
          %mul3A_323 = arith.constant 16 : i32
          %mul3A_324 = arith.muli %scan3A_222, %mul3A_323 : i32
          %add3A_325 = arith.addi %mul3A_324, %scan3A_321 : i32
          %get3A_326 = arith.index_cast %add3A_325 : i32 to index
          %get3A_327 = arith.constant 0 : index
          %get3A_328 = tpu.vector_load %arg11[%get3A_326, %get3A_327] {strides = array<i32>} : memref<80x128xf32, #tpu.memory_space<vmem>>, vector<16xf32>,
          %get3A_329 = arith.index_cast %add3A_325 : i32 to index
          %get3A_330 = arith.constant 0 : index
          %get3A_331 = tpu.vector_load %arg12[%get3A_329, %get3A_330] {strides = array<i32>} : memref<80x128xf32, #tpu.memory_space<vmem>>, vector<16xf32>,
          %mul3A_332 = arith.mulf %get3A_328, %get3A_331 : vector<16xf32>
          %get3A_333 = arith.index_cast %add3A_325 : i32 to index
          %get3A_334 = arith.constant 16 : index
          %get3A_335 = tpu.vector_load %arg11[%get3A_333, %get3A_334] {strides = array<i32>} : memref<80x128xf32, #tpu.memory_space<vmem>>, vector<16xf32>,
          %get3A_336 = arith.index_cast %add3A_325 : i32 to index
          %get3A_337 = arith.constant 16 : index
          %get3A_338 = tpu.vector_load %arg12[%get3A_336, %get3A_337] {strides = array<i32>} : memref<80x128xf32, #tpu.memory_space<vmem>>, vector<16xf32>,
          %mul3A_339 = arith.mulf %get3A_335, %get3A_338 : vector<16xf32>
          %add3A_340 = arith.addf %mul3A_332, %mul3A_339 : vector<16xf32>
          %get3A_341 = arith.index_cast %add3A_325 : i32 to index
          %get3A_342 = arith.constant 32 : index
          %get3A_343 = tpu.vector_load %arg11[%get3A_341, %get3A_342] {strides = array<i32>} : memref<80x128xf32, #tpu.memory_space<vmem>>, vector<16xf32>,
          %get3A_344 = arith.index_cast %add3A_325 : i32 to index
          %get3A_345 = arith.constant 32 : index
          %get3A_346 = tpu.vector_load %arg12[%get3A_344, %get3A_345] {strides = array<i32>} : memref<80x128xf32, #tpu.memory_space<vmem>>, vector<16xf32>,
          %mul3A_347 = arith.mulf %get3A_343, %get3A_346 : vector<16xf32>
          %add3A_348 = arith.addf %add3A_340, %mul3A_347 : vector<16xf32>
          %get3A_349 = arith.index_cast %add3A_325 : i32 to index
          %get3A_350 = arith.constant 48 : index
          %get3A_351 = tpu.vector_load %arg11[%get3A_349, %get3A_350] {strides = array<i32>} : memref<80x128xf32, #tpu.memory_space<vmem>>, vector<16xf32>,
          %get3A_352 = arith.index_cast %add3A_325 : i32 to index
          %get3A_353 = arith.constant 48 : index
          %get3A_354 = tpu.vector_load %arg12[%get3A_352, %get3A_353] {strides = array<i32>} : memref<80x128xf32, #tpu.memory_space<vmem>>, vector<16xf32>,
          %mul3A_355 = arith.mulf %get3A_351, %get3A_354 : vector<16xf32>
          %add3A_356 = arith.addf %add3A_348, %mul3A_355 : vector<16xf32>
          %get3A_357 = arith.index_cast %add3A_325 : i32 to index
          %get3A_358 = arith.constant 64 : index
          %get3A_359 = tpu.vector_load %arg11[%get3A_357, %get3A_358] {strides = array<i32>} : memref<80x128xf32, #tpu.memory_space<vmem>>, vector<16xf32>,
          %get3A_360 = arith.index_cast %add3A_325 : i32 to index
          %get3A_361 = arith.constant 64 : index
          %get3A_362 = tpu.vector_load %arg12[%get3A_360, %get3A_361] {strides = array<i32>} : memref<80x128xf32, #tpu.memory_space<vmem>>, vector<16xf32>,
          %mul3A_363 = arith.mulf %get3A_359, %get3A_362 : vector<16xf32>
          %add3A_364 = arith.addf %add3A_356, %mul3A_363 : vector<16xf32>
          %get3A_365 = arith.index_cast %add3A_325 : i32 to index
          %get3A_366 = arith.constant 80 : index
          %get3A_367 = tpu.vector_load %arg11[%get3A_365, %get3A_366] {strides = array<i32>} : memref<80x128xf32, #tpu.memory_space<vmem>>, vector<16xf32>,
          %get3A_368 = arith.index_cast %add3A_325 : i32 to index
          %get3A_369 = arith.constant 80 : index
          %get3A_370 = tpu.vector_load %arg12[%get3A_368, %get3A_369] {strides = array<i32>} : memref<80x128xf32, #tpu.memory_space<vmem>>, vector<16xf32>,
          %mul3A_371 = arith.mulf %get3A_367, %get3A_370 : vector<16xf32>
          %add3A_372 = arith.addf %add3A_364, %mul3A_371 : vector<16xf32>
          %get3A_373 = arith.index_cast %add3A_325 : i32 to index
          %get3A_374 = arith.constant 96 : index
          %get3A_375 = tpu.vector_load %arg11[%get3A_373, %get3A_374] {strides = array<i32>} : memref<80x128xf32, #tpu.memory_space<vmem>>, vector<16xf32>,
          %get3A_376 = arith.index_cast %add3A_325 : i32 to index
          %get3A_377 = arith.constant 96 : index
          %get3A_378 = tpu.vector_load %arg12[%get3A_376, %get3A_377] {strides = array<i32>} : memref<80x128xf32, #tpu.memory_space<vmem>>, vector<16xf32>,
          %mul3A_379 = arith.mulf %get3A_375, %get3A_378 : vector<16xf32>
          %add3A_380 = arith.addf %add3A_372, %mul3A_379 : vector<16xf32>
          %get3A_381 = arith.index_cast %add3A_325 : i32 to index
          %get3A_382 = arith.constant 112 : index
          %get3A_383 = tpu.vector_load %arg11[%get3A_381, %get3A_382] {strides = array<i32>} : memref<80x128xf32, #tpu.memory_space<vmem>>, vector<16xf32>,
          %get3A_384 = arith.index_cast %add3A_325 : i32 to index
          %get3A_385 = arith.constant 112 : index
          %get3A_386 = tpu.vector_load %arg12[%get3A_384, %get3A_385] {strides = array<i32>} : memref<80x128xf32, #tpu.memory_space<vmem>>, vector<16xf32>,
          %mul3A_387 = arith.mulf %get3A_383, %get3A_386 : vector<16xf32>
          %add3A_388 = arith.addf %add3A_380, %mul3A_387 : vector<16xf32>
          %mul3A_389 = arith.constant 16 : i32
          %mul3A_390 = arith.muli %scan3A_321, %mul3A_389 : i32
          %swap3A_391 = arith.index_cast %mul3A_390 : i32 to index
          %swap3A_392 = tpu.vector_load %arg13[%swap3A_391] {strides = array<i32>} : memref<256xf32, #tpu.memory_space<vmem>>, vector<16xf32>,
          tpu.vector_store %arg13[%swap3A_391], %add3A_388 {strides = array<i32>} : memref<256xf32, #tpu.memory_space<vmem>>, vector<16xf32>,
          %scan3A_393 = arith.constant 0 : i32
          scf.yield %scan3A_393 : i32
        }
        %scan3A_230 = arith.constant 16 : i32
        %mul3A_231 = arith.constant 16 : i32
        %mul3A_232 = vector.broadcast %mul3A_231 : i32 to vector<16xi32>
        %mul3A_233 = arith.muli %iota3A, %mul3A_232 : vector<16xi32>
        %gather3A = tpu.vector_load_idx %arg13[%mul3A_233] : memref<256xf32, #tpu.memory_space<vmem>>[vector<16xi32>], vector<16xf32>,
        %add3A_234 = arith.constant 1 : i32
        %add3A_235 = vector.broadcast %add3A_234 : i32 to vector<16xi32>
        %add3A_236 = arith.addi %mul3A_233, %add3A_235 : vector<16xi32>
        %gather3A_237 = tpu.vector_load_idx %arg13[%add3A_236] : memref<256xf32, #tpu.memory_space<vmem>>[vector<16xi32>], vector<16xf32>,
        %add3A_238 = arith.addf %gather3A, %gather3A_237 : vector<16xf32>
        %add3A_239 = arith.constant 2 : i32
        %add3A_240 = vector.broadcast %add3A_239 : i32 to vector<16xi32>
        %add3A_241 = arith.addi %mul3A_233, %add3A_240 : vector<16xi32>
        %gather3A_242 = tpu.vector_load_idx %arg13[%add3A_241] : memref<256xf32, #tpu.memory_space<vmem>>[vector<16xi32>], vector<16xf32>,
        %add3A_243 = arith.addf %add3A_238, %gather3A_242 : vector<16xf32>
        %add3A_244 = arith.constant 3 : i32
        %add3A_245 = vector.broadcast %add3A_244 : i32 to vector<16xi32>
        %add3A_246 = arith.addi %mul3A_233, %add3A_245 : vector<16xi32>
        %gather3A_247 = tpu.vector_load_idx %arg13[%add3A_246] : memref<256xf32, #tpu.memory_space<vmem>>[vector<16xi32>], vector<16xf32>,
        %add3A_248 = arith.addf %add3A_243, %gather3A_247 : vector<16xf32>
        %add3A_249 = arith.constant 4 : i32
        %add3A_250 = vector.broadcast %add3A_249 : i32 to vector<16xi32>
        %add3A_251 = arith.addi %mul3A_233, %add3A_250 : vector<16xi32>
        %gather3A_252 = tpu.vector_load_idx %arg13[%add3A_251] : memref<256xf32, #tpu.memory_space<vmem>>[vector<16xi32>], vector<16xf32>,
        %add3A_253 = arith.addf %add3A_248, %gather3A_252 : vector<16xf32>
        %add3A_254 = arith.constant 5 : i32
        %add3A_255 = vector.broadcast %add3A_254 : i32 to vector<16xi32>
        %add3A_256 = arith.addi %mul3A_233, %add3A_255 : vector<16xi32>
        %gather3A_257 = tpu.vector_load_idx %arg13[%add3A_256] : memref<256xf32, #tpu.memory_space<vmem>>[vector<16xi32>], vector<16xf32>,
        %add3A_258 = arith.addf %add3A_253, %gather3A_257 : vector<16xf32>
        %add3A_259 = arith.constant 6 : i32
        %add3A_260 = vector.broadcast %add3A_259 : i32 to vector<16xi32>
        %add3A_261 = arith.addi %mul3A_233, %add3A_260 : vector<16xi32>
        %gather3A_262 = tpu.vector_load_idx %arg13[%add3A_261] : memref<256xf32, #tpu.memory_space<vmem>>[vector<16xi32>], vector<16xf32>,
        %add3A_263 = arith.addf %add3A_258, %gather3A_262 : vector<16xf32>
        %add3A_264 = arith.constant 7 : i32
        %add3A_265 = vector.broadcast %add3A_264 : i32 to vector<16xi32>
        %add3A_266 = arith.addi %mul3A_233, %add3A_265 : vector<16xi32>
        %gather3A_267 = tpu.vector_load_idx %arg13[%add3A_266] : memref<256xf32, #tpu.memory_space<vmem>>[vector<16xi32>], vector<16xf32>,
        %add3A_268 = arith.addf %add3A_263, %gather3A_267 : vector<16xf32>
        %add3A_269 = arith.constant 8 : i32
        %add3A_270 = vector.broadcast %add3A_269 : i32 to vector<16xi32>
        %add3A_271 = arith.addi %mul3A_233, %add3A_270 : vector<16xi32>
        %gather3A_272 = tpu.vector_load_idx %arg13[%add3A_271] : memref<256xf32, #tpu.memory_space<vmem>>[vector<16xi32>], vector<16xf32>,
        %add3A_273 = arith.addf %add3A_268, %gather3A_272 : vector<16xf32>
        %add3A_274 = arith.constant 9 : i32
        %add3A_275 = vector.broadcast %add3A_274 : i32 to vector<16xi32>
        %add3A_276 = arith.addi %mul3A_233, %add3A_275 : vector<16xi32>
        %gather3A_277 = tpu.vector_load_idx %arg13[%add3A_276] : memref<256xf32, #tpu.memory_space<vmem>>[vector<16xi32>], vector<16xf32>,
        %add3A_278 = arith.addf %add3A_273, %gather3A_277 : vector<16xf32>
        %add3A_279 = arith.constant 10 : i32
        %add3A_280 = vector.broadcast %add3A_279 : i32 to vector<16xi32>
        %add3A_281 = arith.addi %mul3A_233, %add3A_280 : vector<16xi32>
        %gather3A_282 = tpu.vector_load_idx %arg13[%add3A_281] : memref<256xf32, #tpu.memory_space<vmem>>[vector<16xi32>], vector<16xf32>,
        %add3A_283 = arith.addf %add3A_278, %gather3A_282 : vector<16xf32>
        %add3A_284 = arith.constant 11 : i32
        %add3A_285 = vector.broadcast %add3A_284 : i32 to vector<16xi32>
        %add3A_286 = arith.addi %mul3A_233, %add3A_285 : vector<16xi32>
        %gather3A_287 = tpu.vector_load_idx %arg13[%add3A_286] : memref<256xf32, #tpu.memory_space<vmem>>[vector<16xi32>], vector<16xf32>,
        %add3A_288 = arith.addf %add3A_283, %gather3A_287 : vector<16xf32>
        %add3A_289 = arith.constant 12 : i32
        %add3A_290 = vector.broadcast %add3A_289 : i32 to vector<16xi32>
        %add3A_291 = arith.addi %mul3A_233, %add3A_290 : vector<16xi32>
        %gather3A_292 = tpu.vector_load_idx %arg13[%add3A_291] : memref<256xf32, #tpu.memory_space<vmem>>[vector<16xi32>], vector<16xf32>,
        %add3A_293 = arith.addf %add3A_288, %gather3A_292 : vector<16xf32>
        %add3A_294 = arith.constant 13 : i32
        %add3A_295 = vector.broadcast %add3A_294 : i32 to vector<16xi32>
        %add3A_296 = arith.addi %mul3A_233, %add3A_295 : vector<16xi32>
        %gather3A_297 = tpu.vector_load_idx %arg13[%add3A_296] : memref<256xf32, #tpu.memory_space<vmem>>[vector<16xi32>], vector<16xf32>,
        %add3A_298 = arith.addf %add3A_293, %gather3A_297 : vector<16xf32>
        %add3A_299 = arith.constant 14 : i32
        %add3A_300 = vector.broadcast %add3A_299 : i32 to vector<16xi32>
        %add3A_301 = arith.addi %mul3A_233, %add3A_300 : vector<16xi32>
        %gather3A_302 = tpu.vector_load_idx %arg13[%add3A_301] : memref<256xf32, #tpu.memory_space<vmem>>[vector<16xi32>], vector<16xf32>,
        %add3A_303 = arith.addf %add3A_298, %gather3A_302 : vector<16xf32>
        %add3A_304 = arith.constant 15 : i32
        %add3A_305 = vector.broadcast %add3A_304 : i32 to vector<16xi32>
        %add3A_306 = arith.addi %mul3A_233, %add3A_305 : vector<16xi32>
        %gather3A_307 = tpu.vector_load_idx %arg13[%add3A_306] : memref<256xf32, #tpu.memory_space<vmem>>[vector<16xi32>], vector<16xf32>,
        %add3A_308 = arith.addf %add3A_303, %gather3A_307 : vector<16xf32>
        %ge3A = arith.constant 0.000000e+00 : f32
        %ge3A_309 = vector.broadcast %ge3A : f32 to vector<16xf32>
        %ge3A_310 = arith.cmpf oge, %add3A_308, %ge3A_309 : vector<16xf32>
        %mul3A_311 = arith.constant 2.000000e-01 : f32
        %mul3A_312 = vector.broadcast %mul3A_311 : f32 to vector<16xf32>
        %mul3A_313 = arith.mulf %add3A_308, %mul3A_312 : vector<16xf32>
        %select_n3A = arith.select %ge3A_310, %add3A_308, %mul3A_313 : vector<16xi1>, vector<16xf32>
        %exp3A = math.exp %select_n3A : vector<16xf32>
        %mul3A_314 = arith.constant 16 : i32
        %mul3A_315 = arith.muli %scan3A_222, %mul3A_314 : i32
        %swap3A = arith.index_cast %mul3A_315 : i32 to index
        %swap3A_316 = tpu.vector_load %arg14[%swap3A] {strides = array<i32>} : memref<80xf32, #tpu.memory_space<vmem>>, vector<16xf32>,
        tpu.vector_store %arg14[%swap3A], %exp3A {strides = array<i32>} : memref<80xf32, #tpu.memory_space<vmem>>, vector<16xf32>,
        %mul3A_317 = arith.constant 16 : i32
        %mul3A_318 = arith.muli %scan3A_222, %mul3A_317 : i32
        %get3A = arith.index_cast %mul3A_318 : i32 to index
        %get3A_319 = tpu.vector_load %arg10[%get3A] {strides = array<i32>} : memref<80xi32, #tpu.memory_space<vmem>>, vector<16xi32>,
        tpu.vector_store_idx %arg15[%get3A_319], %exp3A {add = true} : memref<10240xf32, #tpu.memory_space<vmem>>[vector<16xi32>], vector<16xf32>,
        %scan3A_320 = arith.constant 0 : i32
        scf.yield %scan3A_320 : i32
      }
      %scan3A_213 = arith.constant 5 : i32
      %scan3A_214 = arith.constant 0 : i32
      %scan3A_215 = arith.constant 0 : i32
      %scan3A_216 = arith.constant 80 : i32
      %scan3A_217 = arith.addi %scan3A_215, %scan3A_216 : i32
      %scan3A_218 = arith.constant 1 : i32
      %scan3A_219 = scf.for %scan3A_222 = %scan3A_215 to %scan3A_217 step %scan3A_218 iter_args(%scan3A_223 = %scan3A_214) -> (i32)  : i32 {
        %broadcast_in_dim3A_224 = arith.constant 0 : i32
        %broadcast_in_dim3A_225 = vector.broadcast %broadcast_in_dim3A_224 : i32 to vector<16xi32>
        %add3A_226 = vector.broadcast %scan3A_222 : i32 to vector<16xi32>
        %add3A_227 = arith.addi %broadcast_in_dim3A_225, %add3A_226 : vector<16xi32>
        %gather3A = tpu.vector_load_idx %arg14[%add3A_227] : memref<80xf32, #tpu.memory_space<vmem>>[vector<16xi32>], vector<16xf32>,
        %get3A = arith.index_cast %scan3A_222 : i32 to index
        %get3A_228 = arith.constant 0 : index
        %get3A_229 = tpu.vector_load %arg11[%get3A, %get3A_228] {strides = array<i32>} : memref<80x128xf32, #tpu.memory_space<vmem>>, vector<16xf32>,
        %mul3A_230 = arith.mulf %get3A_229, %gather3A : vector<16xf32>
        %swap3A = arith.index_cast %scan3A_222 : i32 to index
        %swap3A_231 = arith.constant 0 : index
        %swap3A_232 = tpu.vector_load %arg11[%swap3A, %swap3A_231] {strides = array<i32>} : memref<80x128xf32, #tpu.memory_space<vmem>>, vector<16xf32>,
        tpu.vector_store %arg11[%swap3A, %swap3A_231], %mul3A_230 {strides = array<i32>} : memref<80x128xf32, #tpu.memory_space<vmem>>, vector<16xf32>,
        %get3A_233 = arith.index_cast %scan3A_222 : i32 to index
        %get3A_234 = arith.constant 16 : index
        %get3A_235 = tpu.vector_load %arg11[%get3A_233, %get3A_234] {strides = array<i32>} : memref<80x128xf32, #tpu.memory_space<vmem>>, vector<16xf32>,
        %mul3A_236 = arith.mulf %get3A_235, %gather3A : vector<16xf32>
        %swap3A_237 = arith.index_cast %scan3A_222 : i32 to index
        %swap3A_238 = arith.constant 16 : index
        %swap3A_239 = tpu.vector_load %arg11[%swap3A_237, %swap3A_238] {strides = array<i32>} : memref<80x128xf32, #tpu.memory_space<vmem>>, vector<16xf32>,
        tpu.vector_store %arg11[%swap3A_237, %swap3A_238], %mul3A_236 {strides = array<i32>} : memref<80x128xf32, #tpu.memory_space<vmem>>, vector<16xf32>,
        %get3A_240 = arith.index_cast %scan3A_222 : i32 to index
        %get3A_241 = arith.constant 32 : index
        %get3A_242 = tpu.vector_load %arg11[%get3A_240, %get3A_241] {strides = array<i32>} : memref<80x128xf32, #tpu.memory_space<vmem>>, vector<16xf32>,
        %mul3A_243 = arith.mulf %get3A_242, %gather3A : vector<16xf32>
        %swap3A_244 = arith.index_cast %scan3A_222 : i32 to index
        %swap3A_245 = arith.constant 32 : index
        %swap3A_246 = tpu.vector_load %arg11[%swap3A_244, %swap3A_245] {strides = array<i32>} : memref<80x128xf32, #tpu.memory_space<vmem>>, vector<16xf32>,
        tpu.vector_store %arg11[%swap3A_244, %swap3A_245], %mul3A_243 {strides = array<i32>} : memref<80x128xf32, #tpu.memory_space<vmem>>, vector<16xf32>,
        %get3A_247 = arith.index_cast %scan3A_222 : i32 to index
        %get3A_248 = arith.constant 48 : index
        %get3A_249 = tpu.vector_load %arg11[%get3A_247, %get3A_248] {strides = array<i32>} : memref<80x128xf32, #tpu.memory_space<vmem>>, vector<16xf32>,
        %mul3A_250 = arith.mulf %get3A_249, %gather3A : vector<16xf32>
        %swap3A_251 = arith.index_cast %scan3A_222 : i32 to index
        %swap3A_252 = arith.constant 48 : index
        %swap3A_253 = tpu.vector_load %arg11[%swap3A_251, %swap3A_252] {strides = array<i32>} : memref<80x128xf32, #tpu.memory_space<vmem>>, vector<16xf32>,
        tpu.vector_store %arg11[%swap3A_251, %swap3A_252], %mul3A_250 {strides = array<i32>} : memref<80x128xf32, #tpu.memory_space<vmem>>, vector<16xf32>,
        %get3A_254 = arith.index_cast %scan3A_222 : i32 to index
        %get3A_255 = arith.constant 64 : index
        %get3A_256 = tpu.vector_load %arg11[%get3A_254, %get3A_255] {strides = array<i32>} : memref<80x128xf32, #tpu.memory_space<vmem>>, vector<16xf32>,
        %mul3A_257 = arith.mulf %get3A_256, %gather3A : vector<16xf32>
        %swap3A_258 = arith.index_cast %scan3A_222 : i32 to index
        %swap3A_259 = arith.constant 64 : index
        %swap3A_260 = tpu.vector_load %arg11[%swap3A_258, %swap3A_259] {strides = array<i32>} : memref<80x128xf32, #tpu.memory_space<vmem>>, vector<16xf32>,
        tpu.vector_store %arg11[%swap3A_258, %swap3A_259], %mul3A_257 {strides = array<i32>} : memref<80x128xf32, #tpu.memory_space<vmem>>, vector<16xf32>,
        %get3A_261 = arith.index_cast %scan3A_222 : i32 to index
        %get3A_262 = arith.constant 80 : index
        %get3A_263 = tpu.vector_load %arg11[%get3A_261, %get3A_262] {strides = array<i32>} : memref<80x128xf32, #tpu.memory_space<vmem>>, vector<16xf32>,
        %mul3A_264 = arith.mulf %get3A_263, %gather3A : vector<16xf32>
        %swap3A_265 = arith.index_cast %scan3A_222 : i32 to index
        %swap3A_266 = arith.constant 80 : index
        %swap3A_267 = tpu.vector_load %arg11[%swap3A_265, %swap3A_266] {strides = array<i32>} : memref<80x128xf32, #tpu.memory_space<vmem>>, vector<16xf32>,
        tpu.vector_store %arg11[%swap3A_265, %swap3A_266], %mul3A_264 {strides = array<i32>} : memref<80x128xf32, #tpu.memory_space<vmem>>, vector<16xf32>,
        %get3A_268 = arith.index_cast %scan3A_222 : i32 to index
        %get3A_269 = arith.constant 96 : index
        %get3A_270 = tpu.vector_load %arg11[%get3A_268, %get3A_269] {strides = array<i32>} : memref<80x128xf32, #tpu.memory_space<vmem>>, vector<16xf32>,
        %mul3A_271 = arith.mulf %get3A_270, %gather3A : vector<16xf32>
        %swap3A_272 = arith.index_cast %scan3A_222 : i32 to index
        %swap3A_273 = arith.constant 96 : index
        %swap3A_274 = tpu.vector_load %arg11[%swap3A_272, %swap3A_273] {strides = array<i32>} : memref<80x128xf32, #tpu.memory_space<vmem>>, vector<16xf32>,
        tpu.vector_store %arg11[%swap3A_272, %swap3A_273], %mul3A_271 {strides = array<i32>} : memref<80x128xf32, #tpu.memory_space<vmem>>, vector<16xf32>,
        %get3A_275 = arith.index_cast %scan3A_222 : i32 to index
        %get3A_276 = arith.constant 112 : index
        %get3A_277 = tpu.vector_load %arg11[%get3A_275, %get3A_276] {strides = array<i32>} : memref<80x128xf32, #tpu.memory_space<vmem>>, vector<16xf32>,
        %mul3A_278 = arith.mulf %get3A_277, %gather3A : vector<16xf32>
        %swap3A_279 = arith.index_cast %scan3A_222 : i32 to index
        %swap3A_280 = arith.constant 112 : index
        %swap3A_281 = tpu.vector_load %arg11[%swap3A_279, %swap3A_280] {strides = array<i32>} : memref<80x128xf32, #tpu.memory_space<vmem>>, vector<16xf32>,
        tpu.vector_store %arg11[%swap3A_279, %swap3A_280], %mul3A_278 {strides = array<i32>} : memref<80x128xf32, #tpu.memory_space<vmem>>, vector<16xf32>,
        %scan3A_282 = arith.constant 0 : i32
        scf.yield %scan3A_282 : i32
      }
      %scan3A_220 = arith.constant 80 : i32
      "tpu.region"() ({
        %run_scoped3A_222 = tpu.sem_alloc : memref<!tpu.dma_semaphore, #tpu.memory_space<semaphore_mem>>
        %dma_start3A_223 = arith.constant 0 : i32
        %dma_start3A_224 = arith.constant 0 : i32
        %dma_start3A_225 = tpu.memref_slice %arg17[%dma_start3A_223, %dma_start3A_224] : memref<10240x128xf32, #tpu.memory_space<vmem_shared>> -> memref<10240x128xf32, #tpu.memory_space<vmem_shared>>
        tpu.enqueue_indirect_dma source(%arg11 : memref<80x128xf32, #tpu.memory_space<vmem>>) target(%dma_start3A_225 : memref<10240x128xf32, #tpu.memory_space<vmem_shared>>) offsets(%arg10 : memref<80xi32, #tpu.memory_space<vmem>>) semaphore(%run_scoped3A_222 : memref<!tpu.dma_semaphore, #tpu.memory_space<semaphore_mem>>) {add = true}
        %dma_wait3A_226 = arith.constant 0 : i32
        %dma_wait3A_227 = arith.constant 0 : i32
        %dma_wait3A_228 = tpu.memref_slice %arg17[%dma_wait3A_226, %dma_wait3A_227] : memref<10240x128xf32, #tpu.memory_space<vmem_shared>> -> memref<10240x128xf32, #tpu.memory_space<vmem_shared>>
        tpu.wait_indirect_dma semaphore(%run_scoped3A_222 : memref<!tpu.dma_semaphore, #tpu.memory_space<semaphore_mem>>) src(%arg11 : memref<80x128xf32, #tpu.memory_space<vmem>>) dst(%dma_wait3A_228 : memref<10240x128xf32, #tpu.memory_space<vmem_shared>>)
        tpu.yield
      }) : () -> ()
      %scan3A_221 = arith.constant 0 : i32
      scf.yield %scan3A_221 : i32
    }
    %scan3A_36 = arith.constant 250 : i32
    %barrier3A_37 = arith.constant 0 : index
    tpu.barrier barrier_id(%barrier3A_37)
    %mul3A_38 = arith.constant 16 : i32
    %mul3A_39 = arith.muli %arg0, %mul3A_38 : i32
    %add3A_40 = arith.addi %mul3A_39, %arg1 : i32
    %mul3A_41 = arith.constant 10240 : i32
    %mul3A_42 = arith.muli %add3A_40, %mul3A_41 : i32
    "tpu.region"() ({
      %run_scoped3A_187 = tpu.sem_alloc : memref<!tpu.dma_semaphore, #tpu.memory_space<semaphore_mem>>
      %dma_start3A = tpu.memref_slice %arg7[%mul3A_42] : memref<327680xf32, #tpu.memory_space<hbm>> -> memref<10240xf32, #tpu.memory_space<hbm>>
      %dma_start3A_188 = tpu.memref_slice %arg7[%mul3A_42] : memref<327680xf32, #tpu.memory_space<hbm>> -> memref<10240xf32, #tpu.memory_space<hbm>>
      tpu.enqueue_dma source(%arg15 : memref<10240xf32, #tpu.memory_space<vmem>>) target(%dma_start3A_188 : memref<10240xf32, #tpu.memory_space<hbm>>) target_semaphore(%run_scoped3A_187 : memref<!tpu.dma_semaphore, #tpu.memory_space<semaphore_mem>>)
      %dma_wait3A = tpu.memref_slice %arg7[%mul3A_42] : memref<327680xf32, #tpu.memory_space<hbm>> -> memref<10240xf32, #tpu.memory_space<hbm>>
      %dma_wait3A_189 = tpu.memref_slice %arg7[%mul3A_42] : memref<327680xf32, #tpu.memory_space<hbm>> -> memref<10240xf32, #tpu.memory_space<hbm>>
      tpu.wait_dma2 semaphore(%run_scoped3A_187 : memref<!tpu.dma_semaphore, #tpu.memory_space<semaphore_mem>>) src(%arg15 : memref<10240xf32, #tpu.memory_space<vmem>>) dst(%dma_wait3A_189 : memref<10240xf32, #tpu.memory_space<hbm>>)
      tpu.yield
    }) : () -> ()
    %barrier3A_43 = arith.constant 0 : index
    tpu.barrier barrier_id(%barrier3A_43)
    %mul3A_44 = arith.constant 640 : i32
    %mul3A_45 = arith.muli %arg1, %mul3A_44 : i32
    %mul3A_46 = arith.constant 16 : i32
    %mul3A_47 = arith.muli %arg0, %mul3A_46 : i32
    %add3A_48 = arith.constant 0 : i32
    %add3A_49 = arith.addi %mul3A_47, %add3A_48 : i32
    %mul3A_50 = arith.constant 10240 : i32
    %mul3A_51 = arith.muli %add3A_49, %mul3A_50 : i32
    %add3A_52 = arith.addi %mul3A_51, %mul3A_45 : i32
    %run_scoped3A = arith.constant 0 : i32
    "tpu.region"() ({
      %run_scoped3A_187 = tpu.sem_alloc : memref<!tpu.dma_semaphore, #tpu.memory_space<semaphore_mem>>
      %dma_start3A = arith.constant 0 : i32
      %dma_start3A_188 = tpu.memref_slice %arg16[%run_scoped3A, %dma_start3A] : memref<16x640xf32, #tpu.memory_space<vmem>> -> memref<1x640xf32, #tpu.memory_space<vmem>>
      %dma_start3A_189 = tpu.memref_squeeze %dma_start3A_188 : memref<1x640xf32, #tpu.memory_space<vmem>> -> memref<640xf32, #tpu.memory_space<vmem>>
      %dma_start3A_190 = tpu.memref_slice %arg7[%add3A_52] : memref<327680xf32, #tpu.memory_space<hbm>> -> memref<640xf32, #tpu.memory_space<hbm>>
      %dma_start3A_191 = arith.constant 0 : i32
      %dma_start3A_192 = tpu.memref_slice %arg16[%run_scoped3A, %dma_start3A_191] : memref<16x640xf32, #tpu.memory_space<vmem>> -> memref<1x640xf32, #tpu.memory_space<vmem>>
      %dma_start3A_193 = tpu.memref_squeeze %dma_start3A_192 : memref<1x640xf32, #tpu.memory_space<vmem>> -> memref<640xf32, #tpu.memory_space<vmem>>
      %dma_start3A_194 = tpu.memref_slice %arg7[%add3A_52] : memref<327680xf32, #tpu.memory_space<hbm>> -> memref<640xf32, #tpu.memory_space<hbm>>
      tpu.enqueue_dma source(%dma_start3A_194 : memref<640xf32, #tpu.memory_space<hbm>>) target(%dma_start3A_193 : memref<640xf32, #tpu.memory_space<vmem>>) target_semaphore(%run_scoped3A_187 : memref<!tpu.dma_semaphore, #tpu.memory_space<semaphore_mem>>)
      %dma_wait3A = arith.constant 0 : i32
      %dma_wait3A_195 = tpu.memref_slice %arg16[%run_scoped3A, %dma_wait3A] : memref<16x640xf32, #tpu.memory_space<vmem>> -> memref<1x640xf32, #tpu.memory_space<vmem>>
      %dma_wait3A_196 = tpu.memref_squeeze %dma_wait3A_195 : memref<1x640xf32, #tpu.memory_space<vmem>> -> memref<640xf32, #tpu.memory_space<vmem>>
      %dma_wait3A_197 = tpu.memref_slice %arg7[%add3A_52] : memref<327680xf32, #tpu.memory_space<hbm>> -> memref<640xf32, #tpu.memory_space<hbm>>
      %dma_wait3A_198 = arith.constant 0 : i32
      %dma_wait3A_199 = tpu.memref_slice %arg16[%run_scoped3A, %dma_wait3A_198] : memref<16x640xf32, #tpu.memory_space<vmem>> -> memref<1x640xf32, #tpu.memory_space<vmem>>
      %dma_wait3A_200 = tpu.memref_squeeze %dma_wait3A_199 : memref<1x640xf32, #tpu.memory_space<vmem>> -> memref<640xf32, #tpu.memory_space<vmem>>
      %dma_wait3A_201 = tpu.memref_slice %arg7[%add3A_52] : memref<327680xf32, #tpu.memory_space<hbm>> -> memref<640xf32, #tpu.memory_space<hbm>>
      tpu.wait_dma2 semaphore(%run_scoped3A_187 : memref<!tpu.dma_semaphore, #tpu.memory_space<semaphore_mem>>) src(%dma_wait3A_201 : memref<640xf32, #tpu.memory_space<hbm>>) dst(%dma_wait3A_200 : memref<640xf32, #tpu.memory_space<vmem>>)
      tpu.yield
    }) : () -> ()
    %mul3A_53 = arith.constant 16 : i32
    %mul3A_54 = arith.muli %arg0, %mul3A_53 : i32
    %add3A_55 = arith.constant 1 : i32
    %add3A_56 = arith.addi %mul3A_54, %add3A_55 : i32
    %mul3A_57 = arith.constant 10240 : i32
    %mul3A_58 = arith.muli %add3A_56, %mul3A_57 : i32
    %add3A_59 = arith.addi %mul3A_58, %mul3A_45 : i32
    %run_scoped3A_60 = arith.constant 1 : i32
    "tpu.region"() ({
      %run_scoped3A_187 = tpu.sem_alloc : memref<!tpu.dma_semaphore, #tpu.memory_space<semaphore_mem>>
      %dma_start3A = arith.constant 0 : i32
      %dma_start3A_188 = tpu.memref_slice %arg16[%run_scoped3A_60, %dma_start3A] : memref<16x640xf32, #tpu.memory_space<vmem>> -> memref<1x640xf32, #tpu.memory_space<vmem>>
      %dma_start3A_189 = tpu.memref_squeeze %dma_start3A_188 : memref<1x640xf32, #tpu.memory_space<vmem>> -> memref<640xf32, #tpu.memory_space<vmem>>
      %dma_start3A_190 = tpu.memref_slice %arg7[%add3A_59] : memref<327680xf32, #tpu.memory_space<hbm>> -> memref<640xf32, #tpu.memory_space<hbm>>
      %dma_start3A_191 = arith.constant 0 : i32
      %dma_start3A_192 = tpu.memref_slice %arg16[%run_scoped3A_60, %dma_start3A_191] : memref<16x640xf32, #tpu.memory_space<vmem>> -> memref<1x640xf32, #tpu.memory_space<vmem>>
      %dma_start3A_193 = tpu.memref_squeeze %dma_start3A_192 : memref<1x640xf32, #tpu.memory_space<vmem>> -> memref<640xf32, #tpu.memory_space<vmem>>
      %dma_start3A_194 = tpu.memref_slice %arg7[%add3A_59] : memref<327680xf32, #tpu.memory_space<hbm>> -> memref<640xf32, #tpu.memory_space<hbm>>
      tpu.enqueue_dma source(%dma_start3A_194 : memref<640xf32, #tpu.memory_space<hbm>>) target(%dma_start3A_193 : memref<640xf32, #tpu.memory_space<vmem>>) target_semaphore(%run_scoped3A_187 : memref<!tpu.dma_semaphore, #tpu.memory_space<semaphore_mem>>)
      %dma_wait3A = arith.constant 0 : i32
      %dma_wait3A_195 = tpu.memref_slice %arg16[%run_scoped3A_60, %dma_wait3A] : memref<16x640xf32, #tpu.memory_space<vmem>> -> memref<1x640xf32, #tpu.memory_space<vmem>>
      %dma_wait3A_196 = tpu.memref_squeeze %dma_wait3A_195 : memref<1x640xf32, #tpu.memory_space<vmem>> -> memref<640xf32, #tpu.memory_space<vmem>>
      %dma_wait3A_197 = tpu.memref_slice %arg7[%add3A_59] : memref<327680xf32, #tpu.memory_space<hbm>> -> memref<640xf32, #tpu.memory_space<hbm>>
      %dma_wait3A_198 = arith.constant 0 : i32
      %dma_wait3A_199 = tpu.memref_slice %arg16[%run_scoped3A_60, %dma_wait3A_198] : memref<16x640xf32, #tpu.memory_space<vmem>> -> memref<1x640xf32, #tpu.memory_space<vmem>>
      %dma_wait3A_200 = tpu.memref_squeeze %dma_wait3A_199 : memref<1x640xf32, #tpu.memory_space<vmem>> -> memref<640xf32, #tpu.memory_space<vmem>>
      %dma_wait3A_201 = tpu.memref_slice %arg7[%add3A_59] : memref<327680xf32, #tpu.memory_space<hbm>> -> memref<640xf32, #tpu.memory_space<hbm>>
      tpu.wait_dma2 semaphore(%run_scoped3A_187 : memref<!tpu.dma_semaphore, #tpu.memory_space<semaphore_mem>>) src(%dma_wait3A_201 : memref<640xf32, #tpu.memory_space<hbm>>) dst(%dma_wait3A_200 : memref<640xf32, #tpu.memory_space<vmem>>)
      tpu.yield
    }) : () -> ()
    %mul3A_61 = arith.constant 16 : i32
    %mul3A_62 = arith.muli %arg0, %mul3A_61 : i32
    %add3A_63 = arith.constant 2 : i32
    %add3A_64 = arith.addi %mul3A_62, %add3A_63 : i32
    %mul3A_65 = arith.constant 10240 : i32
    %mul3A_66 = arith.muli %add3A_64, %mul3A_65 : i32
    %add3A_67 = arith.addi %mul3A_66, %mul3A_45 : i32
    %run_scoped3A_68 = arith.constant 2 : i32
    "tpu.region"() ({
      %run_scoped3A_187 = tpu.sem_alloc : memref<!tpu.dma_semaphore, #tpu.memory_space<semaphore_mem>>
      %dma_start3A = arith.constant 0 : i32
      %dma_start3A_188 = tpu.memref_slice %arg16[%run_scoped3A_68, %dma_start3A] : memref<16x640xf32, #tpu.memory_space<vmem>> -> memref<1x640xf32, #tpu.memory_space<vmem>>
      %dma_start3A_189 = tpu.memref_squeeze %dma_start3A_188 : memref<1x640xf32, #tpu.memory_space<vmem>> -> memref<640xf32, #tpu.memory_space<vmem>>
      %dma_start3A_190 = tpu.memref_slice %arg7[%add3A_67] : memref<327680xf32, #tpu.memory_space<hbm>> -> memref<640xf32, #tpu.memory_space<hbm>>
      %dma_start3A_191 = arith.constant 0 : i32
      %dma_start3A_192 = tpu.memref_slice %arg16[%run_scoped3A_68, %dma_start3A_191] : memref<16x640xf32, #tpu.memory_space<vmem>> -> memref<1x640xf32, #tpu.memory_space<vmem>>
      %dma_start3A_193 = tpu.memref_squeeze %dma_start3A_192 : memref<1x640xf32, #tpu.memory_space<vmem>> -> memref<640xf32, #tpu.memory_space<vmem>>
      %dma_start3A_194 = tpu.memref_slice %arg7[%add3A_67] : memref<327680xf32, #tpu.memory_space<hbm>> -> memref<640xf32, #tpu.memory_space<hbm>>
      tpu.enqueue_dma source(%dma_start3A_194 : memref<640xf32, #tpu.memory_space<hbm>>) target(%dma_start3A_193 : memref<640xf32, #tpu.memory_space<vmem>>) target_semaphore(%run_scoped3A_187 : memref<!tpu.dma_semaphore, #tpu.memory_space<semaphore_mem>>)
      %dma_wait3A = arith.constant 0 : i32
      %dma_wait3A_195 = tpu.memref_slice %arg16[%run_scoped3A_68, %dma_wait3A] : memref<16x640xf32, #tpu.memory_space<vmem>> -> memref<1x640xf32, #tpu.memory_space<vmem>>
      %dma_wait3A_196 = tpu.memref_squeeze %dma_wait3A_195 : memref<1x640xf32, #tpu.memory_space<vmem>> -> memref<640xf32, #tpu.memory_space<vmem>>
      %dma_wait3A_197 = tpu.memref_slice %arg7[%add3A_67] : memref<327680xf32, #tpu.memory_space<hbm>> -> memref<640xf32, #tpu.memory_space<hbm>>
      %dma_wait3A_198 = arith.constant 0 : i32
      %dma_wait3A_199 = tpu.memref_slice %arg16[%run_scoped3A_68, %dma_wait3A_198] : memref<16x640xf32, #tpu.memory_space<vmem>> -> memref<1x640xf32, #tpu.memory_space<vmem>>
      %dma_wait3A_200 = tpu.memref_squeeze %dma_wait3A_199 : memref<1x640xf32, #tpu.memory_space<vmem>> -> memref<640xf32, #tpu.memory_space<vmem>>
      %dma_wait3A_201 = tpu.memref_slice %arg7[%add3A_67] : memref<327680xf32, #tpu.memory_space<hbm>> -> memref<640xf32, #tpu.memory_space<hbm>>
      tpu.wait_dma2 semaphore(%run_scoped3A_187 : memref<!tpu.dma_semaphore, #tpu.memory_space<semaphore_mem>>) src(%dma_wait3A_201 : memref<640xf32, #tpu.memory_space<hbm>>) dst(%dma_wait3A_200 : memref<640xf32, #tpu.memory_space<vmem>>)
      tpu.yield
    }) : () -> ()
    %mul3A_69 = arith.constant 16 : i32
    %mul3A_70 = arith.muli %arg0, %mul3A_69 : i32
    %add3A_71 = arith.constant 3 : i32
    %add3A_72 = arith.addi %mul3A_70, %add3A_71 : i32
    %mul3A_73 = arith.constant 10240 : i32
    %mul3A_74 = arith.muli %add3A_72, %mul3A_73 : i32
    %add3A_75 = arith.addi %mul3A_74, %mul3A_45 : i32
    %run_scoped3A_76 = arith.constant 3 : i32
    "tpu.region"() ({
      %run_scoped3A_187 = tpu.sem_alloc : memref<!tpu.dma_semaphore, #tpu.memory_space<semaphore_mem>>
      %dma_start3A = arith.constant 0 : i32
      %dma_start3A_188 = tpu.memref_slice %arg16[%run_scoped3A_76, %dma_start3A] : memref<16x640xf32, #tpu.memory_space<vmem>> -> memref<1x640xf32, #tpu.memory_space<vmem>>
      %dma_start3A_189 = tpu.memref_squeeze %dma_start3A_188 : memref<1x640xf32, #tpu.memory_space<vmem>> -> memref<640xf32, #tpu.memory_space<vmem>>
      %dma_start3A_190 = tpu.memref_slice %arg7[%add3A_75] : memref<327680xf32, #tpu.memory_space<hbm>> -> memref<640xf32, #tpu.memory_space<hbm>>
      %dma_start3A_191 = arith.constant 0 : i32
      %dma_start3A_192 = tpu.memref_slice %arg16[%run_scoped3A_76, %dma_start3A_191] : memref<16x640xf32, #tpu.memory_space<vmem>> -> memref<1x640xf32, #tpu.memory_space<vmem>>
      %dma_start3A_193 = tpu.memref_squeeze %dma_start3A_192 : memref<1x640xf32, #tpu.memory_space<vmem>> -> memref<640xf32, #tpu.memory_space<vmem>>
      %dma_start3A_194 = tpu.memref_slice %arg7[%add3A_75] : memref<327680xf32, #tpu.memory_space<hbm>> -> memref<640xf32, #tpu.memory_space<hbm>>
      tpu.enqueue_dma source(%dma_start3A_194 : memref<640xf32, #tpu.memory_space<hbm>>) target(%dma_start3A_193 : memref<640xf32, #tpu.memory_space<vmem>>) target_semaphore(%run_scoped3A_187 : memref<!tpu.dma_semaphore, #tpu.memory_space<semaphore_mem>>)
      %dma_wait3A = arith.constant 0 : i32
      %dma_wait3A_195 = tpu.memref_slice %arg16[%run_scoped3A_76, %dma_wait3A] : memref<16x640xf32, #tpu.memory_space<vmem>> -> memref<1x640xf32, #tpu.memory_space<vmem>>
      %dma_wait3A_196 = tpu.memref_squeeze %dma_wait3A_195 : memref<1x640xf32, #tpu.memory_space<vmem>> -> memref<640xf32, #tpu.memory_space<vmem>>
      %dma_wait3A_197 = tpu.memref_slice %arg7[%add3A_75] : memref<327680xf32, #tpu.memory_space<hbm>> -> memref<640xf32, #tpu.memory_space<hbm>>
      %dma_wait3A_198 = arith.constant 0 : i32
      %dma_wait3A_199 = tpu.memref_slice %arg16[%run_scoped3A_76, %dma_wait3A_198] : memref<16x640xf32, #tpu.memory_space<vmem>> -> memref<1x640xf32, #tpu.memory_space<vmem>>
      %dma_wait3A_200 = tpu.memref_squeeze %dma_wait3A_199 : memref<1x640xf32, #tpu.memory_space<vmem>> -> memref<640xf32, #tpu.memory_space<vmem>>
      %dma_wait3A_201 = tpu.memref_slice %arg7[%add3A_75] : memref<327680xf32, #tpu.memory_space<hbm>> -> memref<640xf32, #tpu.memory_space<hbm>>
      tpu.wait_dma2 semaphore(%run_scoped3A_187 : memref<!tpu.dma_semaphore, #tpu.memory_space<semaphore_mem>>) src(%dma_wait3A_201 : memref<640xf32, #tpu.memory_space<hbm>>) dst(%dma_wait3A_200 : memref<640xf32, #tpu.memory_space<vmem>>)
      tpu.yield
    }) : () -> ()
    %mul3A_77 = arith.constant 16 : i32
    %mul3A_78 = arith.muli %arg0, %mul3A_77 : i32
    %add3A_79 = arith.constant 4 : i32
    %add3A_80 = arith.addi %mul3A_78, %add3A_79 : i32
    %mul3A_81 = arith.constant 10240 : i32
    %mul3A_82 = arith.muli %add3A_80, %mul3A_81 : i32
    %add3A_83 = arith.addi %mul3A_82, %mul3A_45 : i32
    %run_scoped3A_84 = arith.constant 4 : i32
    "tpu.region"() ({
      %run_scoped3A_187 = tpu.sem_alloc : memref<!tpu.dma_semaphore, #tpu.memory_space<semaphore_mem>>
      %dma_start3A = arith.constant 0 : i32
      %dma_start3A_188 = tpu.memref_slice %arg16[%run_scoped3A_84, %dma_start3A] : memref<16x640xf32, #tpu.memory_space<vmem>> -> memref<1x640xf32, #tpu.memory_space<vmem>>
      %dma_start3A_189 = tpu.memref_squeeze %dma_start3A_188 : memref<1x640xf32, #tpu.memory_space<vmem>> -> memref<640xf32, #tpu.memory_space<vmem>>
      %dma_start3A_190 = tpu.memref_slice %arg7[%add3A_83] : memref<327680xf32, #tpu.memory_space<hbm>> -> memref<640xf32, #tpu.memory_space<hbm>>
      %dma_start3A_191 = arith.constant 0 : i32
      %dma_start3A_192 = tpu.memref_slice %arg16[%run_scoped3A_84, %dma_start3A_191] : memref<16x640xf32, #tpu.memory_space<vmem>> -> memref<1x640xf32, #tpu.memory_space<vmem>>
      %dma_start3A_193 = tpu.memref_squeeze %dma_start3A_192 : memref<1x640xf32, #tpu.memory_space<vmem>> -> memref<640xf32, #tpu.memory_space<vmem>>
      %dma_start3A_194 = tpu.memref_slice %arg7[%add3A_83] : memref<327680xf32, #tpu.memory_space<hbm>> -> memref<640xf32, #tpu.memory_space<hbm>>
      tpu.enqueue_dma source(%dma_start3A_194 : memref<640xf32, #tpu.memory_space<hbm>>) target(%dma_start3A_193 : memref<640xf32, #tpu.memory_space<vmem>>) target_semaphore(%run_scoped3A_187 : memref<!tpu.dma_semaphore, #tpu.memory_space<semaphore_mem>>)
      %dma_wait3A = arith.constant 0 : i32
      %dma_wait3A_195 = tpu.memref_slice %arg16[%run_scoped3A_84, %dma_wait3A] : memref<16x640xf32, #tpu.memory_space<vmem>> -> memref<1x640xf32, #tpu.memory_space<vmem>>
      %dma_wait3A_196 = tpu.memref_squeeze %dma_wait3A_195 : memref<1x640xf32, #tpu.memory_space<vmem>> -> memref<640xf32, #tpu.memory_space<vmem>>
      %dma_wait3A_197 = tpu.memref_slice %arg7[%add3A_83] : memref<327680xf32, #tpu.memory_space<hbm>> -> memref<640xf32, #tpu.memory_space<hbm>>
      %dma_wait3A_198 = arith.constant 0 : i32
      %dma_wait3A_199 = tpu.memref_slice %arg16[%run_scoped3A_84, %dma_wait3A_198] : memref<16x640xf32, #tpu.memory_space<vmem>> -> memref<1x640xf32, #tpu.memory_space<vmem>>
      %dma_wait3A_200 = tpu.memref_squeeze %dma_wait3A_199 : memref<1x640xf32, #tpu.memory_space<vmem>> -> memref<640xf32, #tpu.memory_space<vmem>>
      %dma_wait3A_201 = tpu.memref_slice %arg7[%add3A_83] : memref<327680xf32, #tpu.memory_space<hbm>> -> memref<640xf32, #tpu.memory_space<hbm>>
      tpu.wait_dma2 semaphore(%run_scoped3A_187 : memref<!tpu.dma_semaphore, #tpu.memory_space<semaphore_mem>>) src(%dma_wait3A_201 : memref<640xf32, #tpu.memory_space<hbm>>) dst(%dma_wait3A_200 : memref<640xf32, #tpu.memory_space<vmem>>)
      tpu.yield
    }) : () -> ()
    %mul3A_85 = arith.constant 16 : i32
    %mul3A_86 = arith.muli %arg0, %mul3A_85 : i32
    %add3A_87 = arith.constant 5 : i32
    %add3A_88 = arith.addi %mul3A_86, %add3A_87 : i32
    %mul3A_89 = arith.constant 10240 : i32
    %mul3A_90 = arith.muli %add3A_88, %mul3A_89 : i32
    %add3A_91 = arith.addi %mul3A_90, %mul3A_45 : i32
    %run_scoped3A_92 = arith.constant 5 : i32
    "tpu.region"() ({
      %run_scoped3A_187 = tpu.sem_alloc : memref<!tpu.dma_semaphore, #tpu.memory_space<semaphore_mem>>
      %dma_start3A = arith.constant 0 : i32
      %dma_start3A_188 = tpu.memref_slice %arg16[%run_scoped3A_92, %dma_start3A] : memref<16x640xf32, #tpu.memory_space<vmem>> -> memref<1x640xf32, #tpu.memory_space<vmem>>
      %dma_start3A_189 = tpu.memref_squeeze %dma_start3A_188 : memref<1x640xf32, #tpu.memory_space<vmem>> -> memref<640xf32, #tpu.memory_space<vmem>>
      %dma_start3A_190 = tpu.memref_slice %arg7[%add3A_91] : memref<327680xf32, #tpu.memory_space<hbm>> -> memref<640xf32, #tpu.memory_space<hbm>>
      %dma_start3A_191 = arith.constant 0 : i32
      %dma_start3A_192 = tpu.memref_slice %arg16[%run_scoped3A_92, %dma_start3A_191] : memref<16x640xf32, #tpu.memory_space<vmem>> -> memref<1x640xf32, #tpu.memory_space<vmem>>
      %dma_start3A_193 = tpu.memref_squeeze %dma_start3A_192 : memref<1x640xf32, #tpu.memory_space<vmem>> -> memref<640xf32, #tpu.memory_space<vmem>>
      %dma_start3A_194 = tpu.memref_slice %arg7[%add3A_91] : memref<327680xf32, #tpu.memory_space<hbm>> -> memref<640xf32, #tpu.memory_space<hbm>>
      tpu.enqueue_dma source(%dma_start3A_194 : memref<640xf32, #tpu.memory_space<hbm>>) target(%dma_start3A_193 : memref<640xf32, #tpu.memory_space<vmem>>) target_semaphore(%run_scoped3A_187 : memref<!tpu.dma_semaphore, #tpu.memory_space<semaphore_mem>>)
      %dma_wait3A = arith.constant 0 : i32
      %dma_wait3A_195 = tpu.memref_slice %arg16[%run_scoped3A_92, %dma_wait3A] : memref<16x640xf32, #tpu.memory_space<vmem>> -> memref<1x640xf32, #tpu.memory_space<vmem>>
      %dma_wait3A_196 = tpu.memref_squeeze %dma_wait3A_195 : memref<1x640xf32, #tpu.memory_space<vmem>> -> memref<640xf32, #tpu.memory_space<vmem>>
      %dma_wait3A_197 = tpu.memref_slice %arg7[%add3A_91] : memref<327680xf32, #tpu.memory_space<hbm>> -> memref<640xf32, #tpu.memory_space<hbm>>
      %dma_wait3A_198 = arith.constant 0 : i32
      %dma_wait3A_199 = tpu.memref_slice %arg16[%run_scoped3A_92, %dma_wait3A_198] : memref<16x640xf32, #tpu.memory_space<vmem>> -> memref<1x640xf32, #tpu.memory_space<vmem>>
      %dma_wait3A_200 = tpu.memref_squeeze %dma_wait3A_199 : memref<1x640xf32, #tpu.memory_space<vmem>> -> memref<640xf32, #tpu.memory_space<vmem>>
      %dma_wait3A_201 = tpu.memref_slice %arg7[%add3A_91] : memref<327680xf32, #tpu.memory_space<hbm>> -> memref<640xf32, #tpu.memory_space<hbm>>
      tpu.wait_dma2 semaphore(%run_scoped3A_187 : memref<!tpu.dma_semaphore, #tpu.memory_space<semaphore_mem>>) src(%dma_wait3A_201 : memref<640xf32, #tpu.memory_space<hbm>>) dst(%dma_wait3A_200 : memref<640xf32, #tpu.memory_space<vmem>>)
      tpu.yield
    }) : () -> ()
    %mul3A_93 = arith.constant 16 : i32
    %mul3A_94 = arith.muli %arg0, %mul3A_93 : i32
    %add3A_95 = arith.constant 6 : i32
    %add3A_96 = arith.addi %mul3A_94, %add3A_95 : i32
    %mul3A_97 = arith.constant 10240 : i32
    %mul3A_98 = arith.muli %add3A_96, %mul3A_97 : i32
    %add3A_99 = arith.addi %mul3A_98, %mul3A_45 : i32
    %run_scoped3A_100 = arith.constant 6 : i32
    "tpu.region"() ({
      %run_scoped3A_187 = tpu.sem_alloc : memref<!tpu.dma_semaphore, #tpu.memory_space<semaphore_mem>>
      %dma_start3A = arith.constant 0 : i32
      %dma_start3A_188 = tpu.memref_slice %arg16[%run_scoped3A_100, %dma_start3A] : memref<16x640xf32, #tpu.memory_space<vmem>> -> memref<1x640xf32, #tpu.memory_space<vmem>>
      %dma_start3A_189 = tpu.memref_squeeze %dma_start3A_188 : memref<1x640xf32, #tpu.memory_space<vmem>> -> memref<640xf32, #tpu.memory_space<vmem>>
      %dma_start3A_190 = tpu.memref_slice %arg7[%add3A_99] : memref<327680xf32, #tpu.memory_space<hbm>> -> memref<640xf32, #tpu.memory_space<hbm>>
      %dma_start3A_191 = arith.constant 0 : i32
      %dma_start3A_192 = tpu.memref_slice %arg16[%run_scoped3A_100, %dma_start3A_191] : memref<16x640xf32, #tpu.memory_space<vmem>> -> memref<1x640xf32, #tpu.memory_space<vmem>>
      %dma_start3A_193 = tpu.memref_squeeze %dma_start3A_192 : memref<1x640xf32, #tpu.memory_space<vmem>> -> memref<640xf32, #tpu.memory_space<vmem>>
      %dma_start3A_194 = tpu.memref_slice %arg7[%add3A_99] : memref<327680xf32, #tpu.memory_space<hbm>> -> memref<640xf32, #tpu.memory_space<hbm>>
      tpu.enqueue_dma source(%dma_start3A_194 : memref<640xf32, #tpu.memory_space<hbm>>) target(%dma_start3A_193 : memref<640xf32, #tpu.memory_space<vmem>>) target_semaphore(%run_scoped3A_187 : memref<!tpu.dma_semaphore, #tpu.memory_space<semaphore_mem>>)
      %dma_wait3A = arith.constant 0 : i32
      %dma_wait3A_195 = tpu.memref_slice %arg16[%run_scoped3A_100, %dma_wait3A] : memref<16x640xf32, #tpu.memory_space<vmem>> -> memref<1x640xf32, #tpu.memory_space<vmem>>
      %dma_wait3A_196 = tpu.memref_squeeze %dma_wait3A_195 : memref<1x640xf32, #tpu.memory_space<vmem>> -> memref<640xf32, #tpu.memory_space<vmem>>
      %dma_wait3A_197 = tpu.memref_slice %arg7[%add3A_99] : memref<327680xf32, #tpu.memory_space<hbm>> -> memref<640xf32, #tpu.memory_space<hbm>>
      %dma_wait3A_198 = arith.constant 0 : i32
      %dma_wait3A_199 = tpu.memref_slice %arg16[%run_scoped3A_100, %dma_wait3A_198] : memref<16x640xf32, #tpu.memory_space<vmem>> -> memref<1x640xf32, #tpu.memory_space<vmem>>
      %dma_wait3A_200 = tpu.memref_squeeze %dma_wait3A_199 : memref<1x640xf32, #tpu.memory_space<vmem>> -> memref<640xf32, #tpu.memory_space<vmem>>
      %dma_wait3A_201 = tpu.memref_slice %arg7[%add3A_99] : memref<327680xf32, #tpu.memory_space<hbm>> -> memref<640xf32, #tpu.memory_space<hbm>>
      tpu.wait_dma2 semaphore(%run_scoped3A_187 : memref<!tpu.dma_semaphore, #tpu.memory_space<semaphore_mem>>) src(%dma_wait3A_201 : memref<640xf32, #tpu.memory_space<hbm>>) dst(%dma_wait3A_200 : memref<640xf32, #tpu.memory_space<vmem>>)
      tpu.yield
    }) : () -> ()
    %mul3A_101 = arith.constant 16 : i32
    %mul3A_102 = arith.muli %arg0, %mul3A_101 : i32
    %add3A_103 = arith.constant 7 : i32
    %add3A_104 = arith.addi %mul3A_102, %add3A_103 : i32
    %mul3A_105 = arith.constant 10240 : i32
    %mul3A_106 = arith.muli %add3A_104, %mul3A_105 : i32
    %add3A_107 = arith.addi %mul3A_106, %mul3A_45 : i32
    %run_scoped3A_108 = arith.constant 7 : i32
    "tpu.region"() ({
      %run_scoped3A_187 = tpu.sem_alloc : memref<!tpu.dma_semaphore, #tpu.memory_space<semaphore_mem>>
      %dma_start3A = arith.constant 0 : i32
      %dma_start3A_188 = tpu.memref_slice %arg16[%run_scoped3A_108, %dma_start3A] : memref<16x640xf32, #tpu.memory_space<vmem>> -> memref<1x640xf32, #tpu.memory_space<vmem>>
      %dma_start3A_189 = tpu.memref_squeeze %dma_start3A_188 : memref<1x640xf32, #tpu.memory_space<vmem>> -> memref<640xf32, #tpu.memory_space<vmem>>
      %dma_start3A_190 = tpu.memref_slice %arg7[%add3A_107] : memref<327680xf32, #tpu.memory_space<hbm>> -> memref<640xf32, #tpu.memory_space<hbm>>
      %dma_start3A_191 = arith.constant 0 : i32
      %dma_start3A_192 = tpu.memref_slice %arg16[%run_scoped3A_108, %dma_start3A_191] : memref<16x640xf32, #tpu.memory_space<vmem>> -> memref<1x640xf32, #tpu.memory_space<vmem>>
      %dma_start3A_193 = tpu.memref_squeeze %dma_start3A_192 : memref<1x640xf32, #tpu.memory_space<vmem>> -> memref<640xf32, #tpu.memory_space<vmem>>
      %dma_start3A_194 = tpu.memref_slice %arg7[%add3A_107] : memref<327680xf32, #tpu.memory_space<hbm>> -> memref<640xf32, #tpu.memory_space<hbm>>
      tpu.enqueue_dma source(%dma_start3A_194 : memref<640xf32, #tpu.memory_space<hbm>>) target(%dma_start3A_193 : memref<640xf32, #tpu.memory_space<vmem>>) target_semaphore(%run_scoped3A_187 : memref<!tpu.dma_semaphore, #tpu.memory_space<semaphore_mem>>)
      %dma_wait3A = arith.constant 0 : i32
      %dma_wait3A_195 = tpu.memref_slice %arg16[%run_scoped3A_108, %dma_wait3A] : memref<16x640xf32, #tpu.memory_space<vmem>> -> memref<1x640xf32, #tpu.memory_space<vmem>>
      %dma_wait3A_196 = tpu.memref_squeeze %dma_wait3A_195 : memref<1x640xf32, #tpu.memory_space<vmem>> -> memref<640xf32, #tpu.memory_space<vmem>>
      %dma_wait3A_197 = tpu.memref_slice %arg7[%add3A_107] : memref<327680xf32, #tpu.memory_space<hbm>> -> memref<640xf32, #tpu.memory_space<hbm>>
      %dma_wait3A_198 = arith.constant 0 : i32
      %dma_wait3A_199 = tpu.memref_slice %arg16[%run_scoped3A_108, %dma_wait3A_198] : memref<16x640xf32, #tpu.memory_space<vmem>> -> memref<1x640xf32, #tpu.memory_space<vmem>>
      %dma_wait3A_200 = tpu.memref_squeeze %dma_wait3A_199 : memref<1x640xf32, #tpu.memory_space<vmem>> -> memref<640xf32, #tpu.memory_space<vmem>>
      %dma_wait3A_201 = tpu.memref_slice %arg7[%add3A_107] : memref<327680xf32, #tpu.memory_space<hbm>> -> memref<640xf32, #tpu.memory_space<hbm>>
      tpu.wait_dma2 semaphore(%run_scoped3A_187 : memref<!tpu.dma_semaphore, #tpu.memory_space<semaphore_mem>>) src(%dma_wait3A_201 : memref<640xf32, #tpu.memory_space<hbm>>) dst(%dma_wait3A_200 : memref<640xf32, #tpu.memory_space<vmem>>)
      tpu.yield
    }) : () -> ()
    %mul3A_109 = arith.constant 16 : i32
    %mul3A_110 = arith.muli %arg0, %mul3A_109 : i32
    %add3A_111 = arith.constant 8 : i32
    %add3A_112 = arith.addi %mul3A_110, %add3A_111 : i32
    %mul3A_113 = arith.constant 10240 : i32
    %mul3A_114 = arith.muli %add3A_112, %mul3A_113 : i32
    %add3A_115 = arith.addi %mul3A_114, %mul3A_45 : i32
    %run_scoped3A_116 = arith.constant 8 : i32
    "tpu.region"() ({
      %run_scoped3A_187 = tpu.sem_alloc : memref<!tpu.dma_semaphore, #tpu.memory_space<semaphore_mem>>
      %dma_start3A = arith.constant 0 : i32
      %dma_start3A_188 = tpu.memref_slice %arg16[%run_scoped3A_116, %dma_start3A] : memref<16x640xf32, #tpu.memory_space<vmem>> -> memref<1x640xf32, #tpu.memory_space<vmem>>
      %dma_start3A_189 = tpu.memref_squeeze %dma_start3A_188 : memref<1x640xf32, #tpu.memory_space<vmem>> -> memref<640xf32, #tpu.memory_space<vmem>>
      %dma_start3A_190 = tpu.memref_slice %arg7[%add3A_115] : memref<327680xf32, #tpu.memory_space<hbm>> -> memref<640xf32, #tpu.memory_space<hbm>>
      %dma_start3A_191 = arith.constant 0 : i32
      %dma_start3A_192 = tpu.memref_slice %arg16[%run_scoped3A_116, %dma_start3A_191] : memref<16x640xf32, #tpu.memory_space<vmem>> -> memref<1x640xf32, #tpu.memory_space<vmem>>
      %dma_start3A_193 = tpu.memref_squeeze %dma_start3A_192 : memref<1x640xf32, #tpu.memory_space<vmem>> -> memref<640xf32, #tpu.memory_space<vmem>>
      %dma_start3A_194 = tpu.memref_slice %arg7[%add3A_115] : memref<327680xf32, #tpu.memory_space<hbm>> -> memref<640xf32, #tpu.memory_space<hbm>>
      tpu.enqueue_dma source(%dma_start3A_194 : memref<640xf32, #tpu.memory_space<hbm>>) target(%dma_start3A_193 : memref<640xf32, #tpu.memory_space<vmem>>) target_semaphore(%run_scoped3A_187 : memref<!tpu.dma_semaphore, #tpu.memory_space<semaphore_mem>>)
      %dma_wait3A = arith.constant 0 : i32
      %dma_wait3A_195 = tpu.memref_slice %arg16[%run_scoped3A_116, %dma_wait3A] : memref<16x640xf32, #tpu.memory_space<vmem>> -> memref<1x640xf32, #tpu.memory_space<vmem>>
      %dma_wait3A_196 = tpu.memref_squeeze %dma_wait3A_195 : memref<1x640xf32, #tpu.memory_space<vmem>> -> memref<640xf32, #tpu.memory_space<vmem>>
      %dma_wait3A_197 = tpu.memref_slice %arg7[%add3A_115] : memref<327680xf32, #tpu.memory_space<hbm>> -> memref<640xf32, #tpu.memory_space<hbm>>
      %dma_wait3A_198 = arith.constant 0 : i32
      %dma_wait3A_199 = tpu.memref_slice %arg16[%run_scoped3A_116, %dma_wait3A_198] : memref<16x640xf32, #tpu.memory_space<vmem>> -> memref<1x640xf32, #tpu.memory_space<vmem>>
      %dma_wait3A_200 = tpu.memref_squeeze %dma_wait3A_199 : memref<1x640xf32, #tpu.memory_space<vmem>> -> memref<640xf32, #tpu.memory_space<vmem>>
      %dma_wait3A_201 = tpu.memref_slice %arg7[%add3A_115] : memref<327680xf32, #tpu.memory_space<hbm>> -> memref<640xf32, #tpu.memory_space<hbm>>
      tpu.wait_dma2 semaphore(%run_scoped3A_187 : memref<!tpu.dma_semaphore, #tpu.memory_space<semaphore_mem>>) src(%dma_wait3A_201 : memref<640xf32, #tpu.memory_space<hbm>>) dst(%dma_wait3A_200 : memref<640xf32, #tpu.memory_space<vmem>>)
      tpu.yield
    }) : () -> ()
    %mul3A_117 = arith.constant 16 : i32
    %mul3A_118 = arith.muli %arg0, %mul3A_117 : i32
    %add3A_119 = arith.constant 9 : i32
    %add3A_120 = arith.addi %mul3A_118, %add3A_119 : i32
    %mul3A_121 = arith.constant 10240 : i32
    %mul3A_122 = arith.muli %add3A_120, %mul3A_121 : i32
    %add3A_123 = arith.addi %mul3A_122, %mul3A_45 : i32
    %run_scoped3A_124 = arith.constant 9 : i32
    "tpu.region"() ({
      %run_scoped3A_187 = tpu.sem_alloc : memref<!tpu.dma_semaphore, #tpu.memory_space<semaphore_mem>>
      %dma_start3A = arith.constant 0 : i32
      %dma_start3A_188 = tpu.memref_slice %arg16[%run_scoped3A_124, %dma_start3A] : memref<16x640xf32, #tpu.memory_space<vmem>> -> memref<1x640xf32, #tpu.memory_space<vmem>>
      %dma_start3A_189 = tpu.memref_squeeze %dma_start3A_188 : memref<1x640xf32, #tpu.memory_space<vmem>> -> memref<640xf32, #tpu.memory_space<vmem>>
      %dma_start3A_190 = tpu.memref_slice %arg7[%add3A_123] : memref<327680xf32, #tpu.memory_space<hbm>> -> memref<640xf32, #tpu.memory_space<hbm>>
      %dma_start3A_191 = arith.constant 0 : i32
      %dma_start3A_192 = tpu.memref_slice %arg16[%run_scoped3A_124, %dma_start3A_191] : memref<16x640xf32, #tpu.memory_space<vmem>> -> memref<1x640xf32, #tpu.memory_space<vmem>>
      %dma_start3A_193 = tpu.memref_squeeze %dma_start3A_192 : memref<1x640xf32, #tpu.memory_space<vmem>> -> memref<640xf32, #tpu.memory_space<vmem>>
      %dma_start3A_194 = tpu.memref_slice %arg7[%add3A_123] : memref<327680xf32, #tpu.memory_space<hbm>> -> memref<640xf32, #tpu.memory_space<hbm>>
      tpu.enqueue_dma source(%dma_start3A_194 : memref<640xf32, #tpu.memory_space<hbm>>) target(%dma_start3A_193 : memref<640xf32, #tpu.memory_space<vmem>>) target_semaphore(%run_scoped3A_187 : memref<!tpu.dma_semaphore, #tpu.memory_space<semaphore_mem>>)
      %dma_wait3A = arith.constant 0 : i32
      %dma_wait3A_195 = tpu.memref_slice %arg16[%run_scoped3A_124, %dma_wait3A] : memref<16x640xf32, #tpu.memory_space<vmem>> -> memref<1x640xf32, #tpu.memory_space<vmem>>
      %dma_wait3A_196 = tpu.memref_squeeze %dma_wait3A_195 : memref<1x640xf32, #tpu.memory_space<vmem>> -> memref<640xf32, #tpu.memory_space<vmem>>
      %dma_wait3A_197 = tpu.memref_slice %arg7[%add3A_123] : memref<327680xf32, #tpu.memory_space<hbm>> -> memref<640xf32, #tpu.memory_space<hbm>>
      %dma_wait3A_198 = arith.constant 0 : i32
      %dma_wait3A_199 = tpu.memref_slice %arg16[%run_scoped3A_124, %dma_wait3A_198] : memref<16x640xf32, #tpu.memory_space<vmem>> -> memref<1x640xf32, #tpu.memory_space<vmem>>
      %dma_wait3A_200 = tpu.memref_squeeze %dma_wait3A_199 : memref<1x640xf32, #tpu.memory_space<vmem>> -> memref<640xf32, #tpu.memory_space<vmem>>
      %dma_wait3A_201 = tpu.memref_slice %arg7[%add3A_123] : memref<327680xf32, #tpu.memory_space<hbm>> -> memref<640xf32, #tpu.memory_space<hbm>>
      tpu.wait_dma2 semaphore(%run_scoped3A_187 : memref<!tpu.dma_semaphore, #tpu.memory_space<semaphore_mem>>) src(%dma_wait3A_201 : memref<640xf32, #tpu.memory_space<hbm>>) dst(%dma_wait3A_200 : memref<640xf32, #tpu.memory_space<vmem>>)
      tpu.yield
    }) : () -> ()
    %mul3A_125 = arith.constant 16 : i32
    %mul3A_126 = arith.muli %arg0, %mul3A_125 : i32
    %add3A_127 = arith.constant 10 : i32
    %add3A_128 = arith.addi %mul3A_126, %add3A_127 : i32
    %mul3A_129 = arith.constant 10240 : i32
    %mul3A_130 = arith.muli %add3A_128, %mul3A_129 : i32
    %add3A_131 = arith.addi %mul3A_130, %mul3A_45 : i32
    %run_scoped3A_132 = arith.constant 10 : i32
    "tpu.region"() ({
      %run_scoped3A_187 = tpu.sem_alloc : memref<!tpu.dma_semaphore, #tpu.memory_space<semaphore_mem>>
      %dma_start3A = arith.constant 0 : i32
      %dma_start3A_188 = tpu.memref_slice %arg16[%run_scoped3A_132, %dma_start3A] : memref<16x640xf32, #tpu.memory_space<vmem>> -> memref<1x640xf32, #tpu.memory_space<vmem>>
      %dma_start3A_189 = tpu.memref_squeeze %dma_start3A_188 : memref<1x640xf32, #tpu.memory_space<vmem>> -> memref<640xf32, #tpu.memory_space<vmem>>
      %dma_start3A_190 = tpu.memref_slice %arg7[%add3A_131] : memref<327680xf32, #tpu.memory_space<hbm>> -> memref<640xf32, #tpu.memory_space<hbm>>
      %dma_start3A_191 = arith.constant 0 : i32
      %dma_start3A_192 = tpu.memref_slice %arg16[%run_scoped3A_132, %dma_start3A_191] : memref<16x640xf32, #tpu.memory_space<vmem>> -> memref<1x640xf32, #tpu.memory_space<vmem>>
      %dma_start3A_193 = tpu.memref_squeeze %dma_start3A_192 : memref<1x640xf32, #tpu.memory_space<vmem>> -> memref<640xf32, #tpu.memory_space<vmem>>
      %dma_start3A_194 = tpu.memref_slice %arg7[%add3A_131] : memref<327680xf32, #tpu.memory_space<hbm>> -> memref<640xf32, #tpu.memory_space<hbm>>
      tpu.enqueue_dma source(%dma_start3A_194 : memref<640xf32, #tpu.memory_space<hbm>>) target(%dma_start3A_193 : memref<640xf32, #tpu.memory_space<vmem>>) target_semaphore(%run_scoped3A_187 : memref<!tpu.dma_semaphore, #tpu.memory_space<semaphore_mem>>)
      %dma_wait3A = arith.constant 0 : i32
      %dma_wait3A_195 = tpu.memref_slice %arg16[%run_scoped3A_132, %dma_wait3A] : memref<16x640xf32, #tpu.memory_space<vmem>> -> memref<1x640xf32, #tpu.memory_space<vmem>>
      %dma_wait3A_196 = tpu.memref_squeeze %dma_wait3A_195 : memref<1x640xf32, #tpu.memory_space<vmem>> -> memref<640xf32, #tpu.memory_space<vmem>>
      %dma_wait3A_197 = tpu.memref_slice %arg7[%add3A_131] : memref<327680xf32, #tpu.memory_space<hbm>> -> memref<640xf32, #tpu.memory_space<hbm>>
      %dma_wait3A_198 = arith.constant 0 : i32
      %dma_wait3A_199 = tpu.memref_slice %arg16[%run_scoped3A_132, %dma_wait3A_198] : memref<16x640xf32, #tpu.memory_space<vmem>> -> memref<1x640xf32, #tpu.memory_space<vmem>>
      %dma_wait3A_200 = tpu.memref_squeeze %dma_wait3A_199 : memref<1x640xf32, #tpu.memory_space<vmem>> -> memref<640xf32, #tpu.memory_space<vmem>>
      %dma_wait3A_201 = tpu.memref_slice %arg7[%add3A_131] : memref<327680xf32, #tpu.memory_space<hbm>> -> memref<640xf32, #tpu.memory_space<hbm>>
      tpu.wait_dma2 semaphore(%run_scoped3A_187 : memref<!tpu.dma_semaphore, #tpu.memory_space<semaphore_mem>>) src(%dma_wait3A_201 : memref<640xf32, #tpu.memory_space<hbm>>) dst(%dma_wait3A_200 : memref<640xf32, #tpu.memory_space<vmem>>)
      tpu.yield
    }) : () -> ()
    %mul3A_133 = arith.constant 16 : i32
    %mul3A_134 = arith.muli %arg0, %mul3A_133 : i32
    %add3A_135 = arith.constant 11 : i32
    %add3A_136 = arith.addi %mul3A_134, %add3A_135 : i32
    %mul3A_137 = arith.constant 10240 : i32
    %mul3A_138 = arith.muli %add3A_136, %mul3A_137 : i32
    %add3A_139 = arith.addi %mul3A_138, %mul3A_45 : i32
    %run_scoped3A_140 = arith.constant 11 : i32
    "tpu.region"() ({
      %run_scoped3A_187 = tpu.sem_alloc : memref<!tpu.dma_semaphore, #tpu.memory_space<semaphore_mem>>
      %dma_start3A = arith.constant 0 : i32
      %dma_start3A_188 = tpu.memref_slice %arg16[%run_scoped3A_140, %dma_start3A] : memref<16x640xf32, #tpu.memory_space<vmem>> -> memref<1x640xf32, #tpu.memory_space<vmem>>
      %dma_start3A_189 = tpu.memref_squeeze %dma_start3A_188 : memref<1x640xf32, #tpu.memory_space<vmem>> -> memref<640xf32, #tpu.memory_space<vmem>>
      %dma_start3A_190 = tpu.memref_slice %arg7[%add3A_139] : memref<327680xf32, #tpu.memory_space<hbm>> -> memref<640xf32, #tpu.memory_space<hbm>>
      %dma_start3A_191 = arith.constant 0 : i32
      %dma_start3A_192 = tpu.memref_slice %arg16[%run_scoped3A_140, %dma_start3A_191] : memref<16x640xf32, #tpu.memory_space<vmem>> -> memref<1x640xf32, #tpu.memory_space<vmem>>
      %dma_start3A_193 = tpu.memref_squeeze %dma_start3A_192 : memref<1x640xf32, #tpu.memory_space<vmem>> -> memref<640xf32, #tpu.memory_space<vmem>>
      %dma_start3A_194 = tpu.memref_slice %arg7[%add3A_139] : memref<327680xf32, #tpu.memory_space<hbm>> -> memref<640xf32, #tpu.memory_space<hbm>>
      tpu.enqueue_dma source(%dma_start3A_194 : memref<640xf32, #tpu.memory_space<hbm>>) target(%dma_start3A_193 : memref<640xf32, #tpu.memory_space<vmem>>) target_semaphore(%run_scoped3A_187 : memref<!tpu.dma_semaphore, #tpu.memory_space<semaphore_mem>>)
      %dma_wait3A = arith.constant 0 : i32
      %dma_wait3A_195 = tpu.memref_slice %arg16[%run_scoped3A_140, %dma_wait3A] : memref<16x640xf32, #tpu.memory_space<vmem>> -> memref<1x640xf32, #tpu.memory_space<vmem>>
      %dma_wait3A_196 = tpu.memref_squeeze %dma_wait3A_195 : memref<1x640xf32, #tpu.memory_space<vmem>> -> memref<640xf32, #tpu.memory_space<vmem>>
      %dma_wait3A_197 = tpu.memref_slice %arg7[%add3A_139] : memref<327680xf32, #tpu.memory_space<hbm>> -> memref<640xf32, #tpu.memory_space<hbm>>
      %dma_wait3A_198 = arith.constant 0 : i32
      %dma_wait3A_199 = tpu.memref_slice %arg16[%run_scoped3A_140, %dma_wait3A_198] : memref<16x640xf32, #tpu.memory_space<vmem>> -> memref<1x640xf32, #tpu.memory_space<vmem>>
      %dma_wait3A_200 = tpu.memref_squeeze %dma_wait3A_199 : memref<1x640xf32, #tpu.memory_space<vmem>> -> memref<640xf32, #tpu.memory_space<vmem>>
      %dma_wait3A_201 = tpu.memref_slice %arg7[%add3A_139] : memref<327680xf32, #tpu.memory_space<hbm>> -> memref<640xf32, #tpu.memory_space<hbm>>
      tpu.wait_dma2 semaphore(%run_scoped3A_187 : memref<!tpu.dma_semaphore, #tpu.memory_space<semaphore_mem>>) src(%dma_wait3A_201 : memref<640xf32, #tpu.memory_space<hbm>>) dst(%dma_wait3A_200 : memref<640xf32, #tpu.memory_space<vmem>>)
      tpu.yield
    }) : () -> ()
    %mul3A_141 = arith.constant 16 : i32
    %mul3A_142 = arith.muli %arg0, %mul3A_141 : i32
    %add3A_143 = arith.constant 12 : i32
    %add3A_144 = arith.addi %mul3A_142, %add3A_143 : i32
    %mul3A_145 = arith.constant 10240 : i32
    %mul3A_146 = arith.muli %add3A_144, %mul3A_145 : i32
    %add3A_147 = arith.addi %mul3A_146, %mul3A_45 : i32
    %run_scoped3A_148 = arith.constant 12 : i32
    "tpu.region"() ({
      %run_scoped3A_187 = tpu.sem_alloc : memref<!tpu.dma_semaphore, #tpu.memory_space<semaphore_mem>>
      %dma_start3A = arith.constant 0 : i32
      %dma_start3A_188 = tpu.memref_slice %arg16[%run_scoped3A_148, %dma_start3A] : memref<16x640xf32, #tpu.memory_space<vmem>> -> memref<1x640xf32, #tpu.memory_space<vmem>>
      %dma_start3A_189 = tpu.memref_squeeze %dma_start3A_188 : memref<1x640xf32, #tpu.memory_space<vmem>> -> memref<640xf32, #tpu.memory_space<vmem>>
      %dma_start3A_190 = tpu.memref_slice %arg7[%add3A_147] : memref<327680xf32, #tpu.memory_space<hbm>> -> memref<640xf32, #tpu.memory_space<hbm>>
      %dma_start3A_191 = arith.constant 0 : i32
      %dma_start3A_192 = tpu.memref_slice %arg16[%run_scoped3A_148, %dma_start3A_191] : memref<16x640xf32, #tpu.memory_space<vmem>> -> memref<1x640xf32, #tpu.memory_space<vmem>>
      %dma_start3A_193 = tpu.memref_squeeze %dma_start3A_192 : memref<1x640xf32, #tpu.memory_space<vmem>> -> memref<640xf32, #tpu.memory_space<vmem>>
      %dma_start3A_194 = tpu.memref_slice %arg7[%add3A_147] : memref<327680xf32, #tpu.memory_space<hbm>> -> memref<640xf32, #tpu.memory_space<hbm>>
      tpu.enqueue_dma source(%dma_start3A_194 : memref<640xf32, #tpu.memory_space<hbm>>) target(%dma_start3A_193 : memref<640xf32, #tpu.memory_space<vmem>>) target_semaphore(%run_scoped3A_187 : memref<!tpu.dma_semaphore, #tpu.memory_space<semaphore_mem>>)
      %dma_wait3A = arith.constant 0 : i32
      %dma_wait3A_195 = tpu.memref_slice %arg16[%run_scoped3A_148, %dma_wait3A] : memref<16x640xf32, #tpu.memory_space<vmem>> -> memref<1x640xf32, #tpu.memory_space<vmem>>
      %dma_wait3A_196 = tpu.memref_squeeze %dma_wait3A_195 : memref<1x640xf32, #tpu.memory_space<vmem>> -> memref<640xf32, #tpu.memory_space<vmem>>
      %dma_wait3A_197 = tpu.memref_slice %arg7[%add3A_147] : memref<327680xf32, #tpu.memory_space<hbm>> -> memref<640xf32, #tpu.memory_space<hbm>>
      %dma_wait3A_198 = arith.constant 0 : i32
      %dma_wait3A_199 = tpu.memref_slice %arg16[%run_scoped3A_148, %dma_wait3A_198] : memref<16x640xf32, #tpu.memory_space<vmem>> -> memref<1x640xf32, #tpu.memory_space<vmem>>
      %dma_wait3A_200 = tpu.memref_squeeze %dma_wait3A_199 : memref<1x640xf32, #tpu.memory_space<vmem>> -> memref<640xf32, #tpu.memory_space<vmem>>
      %dma_wait3A_201 = tpu.memref_slice %arg7[%add3A_147] : memref<327680xf32, #tpu.memory_space<hbm>> -> memref<640xf32, #tpu.memory_space<hbm>>
      tpu.wait_dma2 semaphore(%run_scoped3A_187 : memref<!tpu.dma_semaphore, #tpu.memory_space<semaphore_mem>>) src(%dma_wait3A_201 : memref<640xf32, #tpu.memory_space<hbm>>) dst(%dma_wait3A_200 : memref<640xf32, #tpu.memory_space<vmem>>)
      tpu.yield
    }) : () -> ()
    %mul3A_149 = arith.constant 16 : i32
    %mul3A_150 = arith.muli %arg0, %mul3A_149 : i32
    %add3A_151 = arith.constant 13 : i32
    %add3A_152 = arith.addi %mul3A_150, %add3A_151 : i32
    %mul3A_153 = arith.constant 10240 : i32
    %mul3A_154 = arith.muli %add3A_152, %mul3A_153 : i32
    %add3A_155 = arith.addi %mul3A_154, %mul3A_45 : i32
    %run_scoped3A_156 = arith.constant 13 : i32
    "tpu.region"() ({
      %run_scoped3A_187 = tpu.sem_alloc : memref<!tpu.dma_semaphore, #tpu.memory_space<semaphore_mem>>
      %dma_start3A = arith.constant 0 : i32
      %dma_start3A_188 = tpu.memref_slice %arg16[%run_scoped3A_156, %dma_start3A] : memref<16x640xf32, #tpu.memory_space<vmem>> -> memref<1x640xf32, #tpu.memory_space<vmem>>
      %dma_start3A_189 = tpu.memref_squeeze %dma_start3A_188 : memref<1x640xf32, #tpu.memory_space<vmem>> -> memref<640xf32, #tpu.memory_space<vmem>>
      %dma_start3A_190 = tpu.memref_slice %arg7[%add3A_155] : memref<327680xf32, #tpu.memory_space<hbm>> -> memref<640xf32, #tpu.memory_space<hbm>>
      %dma_start3A_191 = arith.constant 0 : i32
      %dma_start3A_192 = tpu.memref_slice %arg16[%run_scoped3A_156, %dma_start3A_191] : memref<16x640xf32, #tpu.memory_space<vmem>> -> memref<1x640xf32, #tpu.memory_space<vmem>>
      %dma_start3A_193 = tpu.memref_squeeze %dma_start3A_192 : memref<1x640xf32, #tpu.memory_space<vmem>> -> memref<640xf32, #tpu.memory_space<vmem>>
      %dma_start3A_194 = tpu.memref_slice %arg7[%add3A_155] : memref<327680xf32, #tpu.memory_space<hbm>> -> memref<640xf32, #tpu.memory_space<hbm>>
      tpu.enqueue_dma source(%dma_start3A_194 : memref<640xf32, #tpu.memory_space<hbm>>) target(%dma_start3A_193 : memref<640xf32, #tpu.memory_space<vmem>>) target_semaphore(%run_scoped3A_187 : memref<!tpu.dma_semaphore, #tpu.memory_space<semaphore_mem>>)
      %dma_wait3A = arith.constant 0 : i32
      %dma_wait3A_195 = tpu.memref_slice %arg16[%run_scoped3A_156, %dma_wait3A] : memref<16x640xf32, #tpu.memory_space<vmem>> -> memref<1x640xf32, #tpu.memory_space<vmem>>
      %dma_wait3A_196 = tpu.memref_squeeze %dma_wait3A_195 : memref<1x640xf32, #tpu.memory_space<vmem>> -> memref<640xf32, #tpu.memory_space<vmem>>
      %dma_wait3A_197 = tpu.memref_slice %arg7[%add3A_155] : memref<327680xf32, #tpu.memory_space<hbm>> -> memref<640xf32, #tpu.memory_space<hbm>>
      %dma_wait3A_198 = arith.constant 0 : i32
      %dma_wait3A_199 = tpu.memref_slice %arg16[%run_scoped3A_156, %dma_wait3A_198] : memref<16x640xf32, #tpu.memory_space<vmem>> -> memref<1x640xf32, #tpu.memory_space<vmem>>
      %dma_wait3A_200 = tpu.memref_squeeze %dma_wait3A_199 : memref<1x640xf32, #tpu.memory_space<vmem>> -> memref<640xf32, #tpu.memory_space<vmem>>
      %dma_wait3A_201 = tpu.memref_slice %arg7[%add3A_155] : memref<327680xf32, #tpu.memory_space<hbm>> -> memref<640xf32, #tpu.memory_space<hbm>>
      tpu.wait_dma2 semaphore(%run_scoped3A_187 : memref<!tpu.dma_semaphore, #tpu.memory_space<semaphore_mem>>) src(%dma_wait3A_201 : memref<640xf32, #tpu.memory_space<hbm>>) dst(%dma_wait3A_200 : memref<640xf32, #tpu.memory_space<vmem>>)
      tpu.yield
    }) : () -> ()
    %mul3A_157 = arith.constant 16 : i32
    %mul3A_158 = arith.muli %arg0, %mul3A_157 : i32
    %add3A_159 = arith.constant 14 : i32
    %add3A_160 = arith.addi %mul3A_158, %add3A_159 : i32
    %mul3A_161 = arith.constant 10240 : i32
    %mul3A_162 = arith.muli %add3A_160, %mul3A_161 : i32
    %add3A_163 = arith.addi %mul3A_162, %mul3A_45 : i32
    %run_scoped3A_164 = arith.constant 14 : i32
    "tpu.region"() ({
      %run_scoped3A_187 = tpu.sem_alloc : memref<!tpu.dma_semaphore, #tpu.memory_space<semaphore_mem>>
      %dma_start3A = arith.constant 0 : i32
      %dma_start3A_188 = tpu.memref_slice %arg16[%run_scoped3A_164, %dma_start3A] : memref<16x640xf32, #tpu.memory_space<vmem>> -> memref<1x640xf32, #tpu.memory_space<vmem>>
      %dma_start3A_189 = tpu.memref_squeeze %dma_start3A_188 : memref<1x640xf32, #tpu.memory_space<vmem>> -> memref<640xf32, #tpu.memory_space<vmem>>
      %dma_start3A_190 = tpu.memref_slice %arg7[%add3A_163] : memref<327680xf32, #tpu.memory_space<hbm>> -> memref<640xf32, #tpu.memory_space<hbm>>
      %dma_start3A_191 = arith.constant 0 : i32
      %dma_start3A_192 = tpu.memref_slice %arg16[%run_scoped3A_164, %dma_start3A_191] : memref<16x640xf32, #tpu.memory_space<vmem>> -> memref<1x640xf32, #tpu.memory_space<vmem>>
      %dma_start3A_193 = tpu.memref_squeeze %dma_start3A_192 : memref<1x640xf32, #tpu.memory_space<vmem>> -> memref<640xf32, #tpu.memory_space<vmem>>
      %dma_start3A_194 = tpu.memref_slice %arg7[%add3A_163] : memref<327680xf32, #tpu.memory_space<hbm>> -> memref<640xf32, #tpu.memory_space<hbm>>
      tpu.enqueue_dma source(%dma_start3A_194 : memref<640xf32, #tpu.memory_space<hbm>>) target(%dma_start3A_193 : memref<640xf32, #tpu.memory_space<vmem>>) target_semaphore(%run_scoped3A_187 : memref<!tpu.dma_semaphore, #tpu.memory_space<semaphore_mem>>)
      %dma_wait3A = arith.constant 0 : i32
      %dma_wait3A_195 = tpu.memref_slice %arg16[%run_scoped3A_164, %dma_wait3A] : memref<16x640xf32, #tpu.memory_space<vmem>> -> memref<1x640xf32, #tpu.memory_space<vmem>>
      %dma_wait3A_196 = tpu.memref_squeeze %dma_wait3A_195 : memref<1x640xf32, #tpu.memory_space<vmem>> -> memref<640xf32, #tpu.memory_space<vmem>>
      %dma_wait3A_197 = tpu.memref_slice %arg7[%add3A_163] : memref<327680xf32, #tpu.memory_space<hbm>> -> memref<640xf32, #tpu.memory_space<hbm>>
      %dma_wait3A_198 = arith.constant 0 : i32
      %dma_wait3A_199 = tpu.memref_slice %arg16[%run_scoped3A_164, %dma_wait3A_198] : memref<16x640xf32, #tpu.memory_space<vmem>> -> memref<1x640xf32, #tpu.memory_space<vmem>>
      %dma_wait3A_200 = tpu.memref_squeeze %dma_wait3A_199 : memref<1x640xf32, #tpu.memory_space<vmem>> -> memref<640xf32, #tpu.memory_space<vmem>>
      %dma_wait3A_201 = tpu.memref_slice %arg7[%add3A_163] : memref<327680xf32, #tpu.memory_space<hbm>> -> memref<640xf32, #tpu.memory_space<hbm>>
      tpu.wait_dma2 semaphore(%run_scoped3A_187 : memref<!tpu.dma_semaphore, #tpu.memory_space<semaphore_mem>>) src(%dma_wait3A_201 : memref<640xf32, #tpu.memory_space<hbm>>) dst(%dma_wait3A_200 : memref<640xf32, #tpu.memory_space<vmem>>)
      tpu.yield
    }) : () -> ()
    %mul3A_165 = arith.constant 16 : i32
    %mul3A_166 = arith.muli %arg0, %mul3A_165 : i32
    %add3A_167 = arith.constant 15 : i32
    %add3A_168 = arith.addi %mul3A_166, %add3A_167 : i32
    %mul3A_169 = arith.constant 10240 : i32
    %mul3A_170 = arith.muli %add3A_168, %mul3A_169 : i32
    %add3A_171 = arith.addi %mul3A_170, %mul3A_45 : i32
    %run_scoped3A_172 = arith.constant 15 : i32
    "tpu.region"() ({
      %run_scoped3A_187 = tpu.sem_alloc : memref<!tpu.dma_semaphore, #tpu.memory_space<semaphore_mem>>
      %dma_start3A = arith.constant 0 : i32
      %dma_start3A_188 = tpu.memref_slice %arg16[%run_scoped3A_172, %dma_start3A] : memref<16x640xf32, #tpu.memory_space<vmem>> -> memref<1x640xf32, #tpu.memory_space<vmem>>
      %dma_start3A_189 = tpu.memref_squeeze %dma_start3A_188 : memref<1x640xf32, #tpu.memory_space<vmem>> -> memref<640xf32, #tpu.memory_space<vmem>>
      %dma_start3A_190 = tpu.memref_slice %arg7[%add3A_171] : memref<327680xf32, #tpu.memory_space<hbm>> -> memref<640xf32, #tpu.memory_space<hbm>>
      %dma_start3A_191 = arith.constant 0 : i32
      %dma_start3A_192 = tpu.memref_slice %arg16[%run_scoped3A_172, %dma_start3A_191] : memref<16x640xf32, #tpu.memory_space<vmem>> -> memref<1x640xf32, #tpu.memory_space<vmem>>
      %dma_start3A_193 = tpu.memref_squeeze %dma_start3A_192 : memref<1x640xf32, #tpu.memory_space<vmem>> -> memref<640xf32, #tpu.memory_space<vmem>>
      %dma_start3A_194 = tpu.memref_slice %arg7[%add3A_171] : memref<327680xf32, #tpu.memory_space<hbm>> -> memref<640xf32, #tpu.memory_space<hbm>>
      tpu.enqueue_dma source(%dma_start3A_194 : memref<640xf32, #tpu.memory_space<hbm>>) target(%dma_start3A_193 : memref<640xf32, #tpu.memory_space<vmem>>) target_semaphore(%run_scoped3A_187 : memref<!tpu.dma_semaphore, #tpu.memory_space<semaphore_mem>>)
      %dma_wait3A = arith.constant 0 : i32
      %dma_wait3A_195 = tpu.memref_slice %arg16[%run_scoped3A_172, %dma_wait3A] : memref<16x640xf32, #tpu.memory_space<vmem>> -> memref<1x640xf32, #tpu.memory_space<vmem>>
      %dma_wait3A_196 = tpu.memref_squeeze %dma_wait3A_195 : memref<1x640xf32, #tpu.memory_space<vmem>> -> memref<640xf32, #tpu.memory_space<vmem>>
      %dma_wait3A_197 = tpu.memref_slice %arg7[%add3A_171] : memref<327680xf32, #tpu.memory_space<hbm>> -> memref<640xf32, #tpu.memory_space<hbm>>
      %dma_wait3A_198 = arith.constant 0 : i32
      %dma_wait3A_199 = tpu.memref_slice %arg16[%run_scoped3A_172, %dma_wait3A_198] : memref<16x640xf32, #tpu.memory_space<vmem>> -> memref<1x640xf32, #tpu.memory_space<vmem>>
      %dma_wait3A_200 = tpu.memref_squeeze %dma_wait3A_199 : memref<1x640xf32, #tpu.memory_space<vmem>> -> memref<640xf32, #tpu.memory_space<vmem>>
      %dma_wait3A_201 = tpu.memref_slice %arg7[%add3A_171] : memref<327680xf32, #tpu.memory_space<hbm>> -> memref<640xf32, #tpu.memory_space<hbm>>
      tpu.wait_dma2 semaphore(%run_scoped3A_187 : memref<!tpu.dma_semaphore, #tpu.memory_space<semaphore_mem>>) src(%dma_wait3A_201 : memref<640xf32, #tpu.memory_space<hbm>>) dst(%dma_wait3A_200 : memref<640xf32, #tpu.memory_space<vmem>>)
      tpu.yield
    }) : () -> ()
    %scan3A_173 = arith.constant 0 : i32
    %scan3A_174 = arith.constant 0 : i32
    %scan3A_175 = arith.constant 40 : i32
    %scan3A_176 = arith.addi %scan3A_174, %scan3A_175 : i32
    %scan3A_177 = arith.constant 1 : i32
    %scan3A_178 = scf.for %scan3A_187 = %scan3A_174 to %scan3A_176 step %scan3A_177 iter_args(%scan3A_188 = %scan3A_173) -> (i32)  : i32 {
      %mul3A_189 = arith.constant 16 : i32
      %mul3A_190 = arith.muli %scan3A_187, %mul3A_189 : i32
      %get3A = arith.constant 0 : i32
      %get3A_191 = arith.index_cast %get3A : i32 to index
      %get3A_192 = arith.index_cast %mul3A_190 : i32 to index
      %get3A_193 = tpu.vector_load %arg16[%get3A_191, %get3A_192] {strides = array<i32>} : memref<16x640xf32, #tpu.memory_space<vmem>>, vector<16xf32>,
      %mul3A_194 = arith.constant 16 : i32
      %mul3A_195 = arith.muli %scan3A_187, %mul3A_194 : i32
      %get3A_196 = arith.constant 1 : i32
      %get3A_197 = arith.index_cast %get3A_196 : i32 to index
      %get3A_198 = arith.index_cast %mul3A_195 : i32 to index
      %get3A_199 = tpu.vector_load %arg16[%get3A_197, %get3A_198] {strides = array<i32>} : memref<16x640xf32, #tpu.memory_space<vmem>>, vector<16xf32>,
      %add3A_200 = arith.addf %get3A_193, %get3A_199 : vector<16xf32>
      %mul3A_201 = arith.constant 16 : i32
      %mul3A_202 = arith.muli %scan3A_187, %mul3A_201 : i32
      %get3A_203 = arith.constant 2 : i32
      %get3A_204 = arith.index_cast %get3A_203 : i32 to index
      %get3A_205 = arith.index_cast %mul3A_202 : i32 to index
      %get3A_206 = tpu.vector_load %arg16[%get3A_204, %get3A_205] {strides = array<i32>} : memref<16x640xf32, #tpu.memory_space<vmem>>, vector<16xf32>,
      %add3A_207 = arith.addf %add3A_200, %get3A_206 : vector<16xf32>
      %mul3A_208 = arith.constant 16 : i32
      %mul3A_209 = arith.muli %scan3A_187, %mul3A_208 : i32
      %get3A_210 = arith.constant 3 : i32
      %get3A_211 = arith.index_cast %get3A_210 : i32 to index
      %get3A_212 = arith.index_cast %mul3A_209 : i32 to index
      %get3A_213 = tpu.vector_load %arg16[%get3A_211, %get3A_212] {strides = array<i32>} : memref<16x640xf32, #tpu.memory_space<vmem>>, vector<16xf32>,
      %add3A_214 = arith.addf %add3A_207, %get3A_213 : vector<16xf32>
      %mul3A_215 = arith.constant 16 : i32
      %mul3A_216 = arith.muli %scan3A_187, %mul3A_215 : i32
      %get3A_217 = arith.constant 4 : i32
      %get3A_218 = arith.index_cast %get3A_217 : i32 to index
      %get3A_219 = arith.index_cast %mul3A_216 : i32 to index
      %get3A_220 = tpu.vector_load %arg16[%get3A_218, %get3A_219] {strides = array<i32>} : memref<16x640xf32, #tpu.memory_space<vmem>>, vector<16xf32>,
      %add3A_221 = arith.addf %add3A_214, %get3A_220 : vector<16xf32>
      %mul3A_222 = arith.constant 16 : i32
      %mul3A_223 = arith.muli %scan3A_187, %mul3A_222 : i32
      %get3A_224 = arith.constant 5 : i32
      %get3A_225 = arith.index_cast %get3A_224 : i32 to index
      %get3A_226 = arith.index_cast %mul3A_223 : i32 to index
      %get3A_227 = tpu.vector_load %arg16[%get3A_225, %get3A_226] {strides = array<i32>} : memref<16x640xf32, #tpu.memory_space<vmem>>, vector<16xf32>,
      %add3A_228 = arith.addf %add3A_221, %get3A_227 : vector<16xf32>
      %mul3A_229 = arith.constant 16 : i32
      %mul3A_230 = arith.muli %scan3A_187, %mul3A_229 : i32
      %get3A_231 = arith.constant 6 : i32
      %get3A_232 = arith.index_cast %get3A_231 : i32 to index
      %get3A_233 = arith.index_cast %mul3A_230 : i32 to index
      %get3A_234 = tpu.vector_load %arg16[%get3A_232, %get3A_233] {strides = array<i32>} : memref<16x640xf32, #tpu.memory_space<vmem>>, vector<16xf32>,
      %add3A_235 = arith.addf %add3A_228, %get3A_234 : vector<16xf32>
      %mul3A_236 = arith.constant 16 : i32
      %mul3A_237 = arith.muli %scan3A_187, %mul3A_236 : i32
      %get3A_238 = arith.constant 7 : i32
      %get3A_239 = arith.index_cast %get3A_238 : i32 to index
      %get3A_240 = arith.index_cast %mul3A_237 : i32 to index
      %get3A_241 = tpu.vector_load %arg16[%get3A_239, %get3A_240] {strides = array<i32>} : memref<16x640xf32, #tpu.memory_space<vmem>>, vector<16xf32>,
      %add3A_242 = arith.addf %add3A_235, %get3A_241 : vector<16xf32>
      %mul3A_243 = arith.constant 16 : i32
      %mul3A_244 = arith.muli %scan3A_187, %mul3A_243 : i32
      %get3A_245 = arith.constant 8 : i32
      %get3A_246 = arith.index_cast %get3A_245 : i32 to index
      %get3A_247 = arith.index_cast %mul3A_244 : i32 to index
      %get3A_248 = tpu.vector_load %arg16[%get3A_246, %get3A_247] {strides = array<i32>} : memref<16x640xf32, #tpu.memory_space<vmem>>, vector<16xf32>,
      %add3A_249 = arith.addf %add3A_242, %get3A_248 : vector<16xf32>
      %mul3A_250 = arith.constant 16 : i32
      %mul3A_251 = arith.muli %scan3A_187, %mul3A_250 : i32
      %get3A_252 = arith.constant 9 : i32
      %get3A_253 = arith.index_cast %get3A_252 : i32 to index
      %get3A_254 = arith.index_cast %mul3A_251 : i32 to index
      %get3A_255 = tpu.vector_load %arg16[%get3A_253, %get3A_254] {strides = array<i32>} : memref<16x640xf32, #tpu.memory_space<vmem>>, vector<16xf32>,
      %add3A_256 = arith.addf %add3A_249, %get3A_255 : vector<16xf32>
      %mul3A_257 = arith.constant 16 : i32
      %mul3A_258 = arith.muli %scan3A_187, %mul3A_257 : i32
      %get3A_259 = arith.constant 10 : i32
      %get3A_260 = arith.index_cast %get3A_259 : i32 to index
      %get3A_261 = arith.index_cast %mul3A_258 : i32 to index
      %get3A_262 = tpu.vector_load %arg16[%get3A_260, %get3A_261] {strides = array<i32>} : memref<16x640xf32, #tpu.memory_space<vmem>>, vector<16xf32>,
      %add3A_263 = arith.addf %add3A_256, %get3A_262 : vector<16xf32>
      %mul3A_264 = arith.constant 16 : i32
      %mul3A_265 = arith.muli %scan3A_187, %mul3A_264 : i32
      %get3A_266 = arith.constant 11 : i32
      %get3A_267 = arith.index_cast %get3A_266 : i32 to index
      %get3A_268 = arith.index_cast %mul3A_265 : i32 to index
      %get3A_269 = tpu.vector_load %arg16[%get3A_267, %get3A_268] {strides = array<i32>} : memref<16x640xf32, #tpu.memory_space<vmem>>, vector<16xf32>,
      %add3A_270 = arith.addf %add3A_263, %get3A_269 : vector<16xf32>
      %mul3A_271 = arith.constant 16 : i32
      %mul3A_272 = arith.muli %scan3A_187, %mul3A_271 : i32
      %get3A_273 = arith.constant 12 : i32
      %get3A_274 = arith.index_cast %get3A_273 : i32 to index
      %get3A_275 = arith.index_cast %mul3A_272 : i32 to index
      %get3A_276 = tpu.vector_load %arg16[%get3A_274, %get3A_275] {strides = array<i32>} : memref<16x640xf32, #tpu.memory_space<vmem>>, vector<16xf32>,
      %add3A_277 = arith.addf %add3A_270, %get3A_276 : vector<16xf32>
      %mul3A_278 = arith.constant 16 : i32
      %mul3A_279 = arith.muli %scan3A_187, %mul3A_278 : i32
      %get3A_280 = arith.constant 13 : i32
      %get3A_281 = arith.index_cast %get3A_280 : i32 to index
      %get3A_282 = arith.index_cast %mul3A_279 : i32 to index
      %get3A_283 = tpu.vector_load %arg16[%get3A_281, %get3A_282] {strides = array<i32>} : memref<16x640xf32, #tpu.memory_space<vmem>>, vector<16xf32>,
      %add3A_284 = arith.addf %add3A_277, %get3A_283 : vector<16xf32>
      %mul3A_285 = arith.constant 16 : i32
      %mul3A_286 = arith.muli %scan3A_187, %mul3A_285 : i32
      %get3A_287 = arith.constant 14 : i32
      %get3A_288 = arith.index_cast %get3A_287 : i32 to index
      %get3A_289 = arith.index_cast %mul3A_286 : i32 to index
      %get3A_290 = tpu.vector_load %arg16[%get3A_288, %get3A_289] {strides = array<i32>} : memref<16x640xf32, #tpu.memory_space<vmem>>, vector<16xf32>,
      %add3A_291 = arith.addf %add3A_284, %get3A_290 : vector<16xf32>
      %mul3A_292 = arith.constant 16 : i32
      %mul3A_293 = arith.muli %scan3A_187, %mul3A_292 : i32
      %get3A_294 = arith.constant 15 : i32
      %get3A_295 = arith.index_cast %get3A_294 : i32 to index
      %get3A_296 = arith.index_cast %mul3A_293 : i32 to index
      %get3A_297 = tpu.vector_load %arg16[%get3A_295, %get3A_296] {strides = array<i32>} : memref<16x640xf32, #tpu.memory_space<vmem>>, vector<16xf32>,
      %add3A_298 = arith.addf %add3A_291, %get3A_297 : vector<16xf32>
      %max3A = arith.constant 9.99999971E-10 : f32
      %max3A_299 = vector.broadcast %max3A : f32 to vector<16xf32>
      %max3A_300 = arith.maximumf %add3A_298, %max3A_299 : vector<16xf32>
      %div3A = arith.constant 1.000000e+00 : f32
      %div3A_301 = vector.broadcast %div3A : f32 to vector<16xf32>
      %div3A_302 = arith.divf %div3A_301, %max3A_300 : vector<16xf32>
      %mul3A_303 = arith.constant 16 : i32
      %mul3A_304 = arith.muli %scan3A_187, %mul3A_303 : i32
      %swap3A = arith.index_cast %mul3A_304 : i32 to index
      %swap3A_305 = tpu.vector_load %arg15[%swap3A] {strides = array<i32>} : memref<10240xf32, #tpu.memory_space<vmem>>, vector<16xf32>,
      tpu.vector_store %arg15[%swap3A], %div3A_302 {strides = array<i32>} : memref<10240xf32, #tpu.memory_space<vmem>>, vector<16xf32>,
      %scan3A_306 = arith.constant 0 : i32
      scf.yield %scan3A_306 : i32
    }
    %scan3A_179 = arith.constant 40 : i32
    %scan3A_180 = arith.constant 0 : i32
    %scan3A_181 = arith.constant 0 : i32
    %scan3A_182 = arith.constant 8 : i32
    %scan3A_183 = arith.addi %scan3A_181, %scan3A_182 : i32
    %scan3A_184 = arith.constant 1 : i32
    %scan3A_185 = scf.for %scan3A_187 = %scan3A_181 to %scan3A_183 step %scan3A_184 iter_args(%scan3A_188 = %scan3A_180) -> (i32)  : i32 {
      %mul3A_189 = arith.constant 80 : i32
      %mul3A_190 = arith.muli %scan3A_187, %mul3A_189 : i32
      %add3A_191 = arith.addi %mul3A_14, %mul3A_190 : i32
      "tpu.region"() ({
        %run_scoped3A_200 = tpu.sem_alloc : memref<!tpu.dma_semaphore, #tpu.memory_space<semaphore_mem>>
        %dma_start3A = arith.constant 0 : i32
        %dma_start3A_201 = tpu.memref_slice %arg17[%add3A_191, %dma_start3A] : memref<10240x128xf32, #tpu.memory_space<vmem_shared>> -> memref<80x128xf32, #tpu.memory_space<vmem_shared>>
        %dma_start3A_202 = arith.constant 0 : i32
        %dma_start3A_203 = tpu.memref_slice %arg17[%add3A_191, %dma_start3A_202] : memref<10240x128xf32, #tpu.memory_space<vmem_shared>> -> memref<80x128xf32, #tpu.memory_space<vmem_shared>>
        tpu.enqueue_dma source(%dma_start3A_203 : memref<80x128xf32, #tpu.memory_space<vmem_shared>>) target(%arg11 : memref<80x128xf32, #tpu.memory_space<vmem>>) target_semaphore(%run_scoped3A_200 : memref<!tpu.dma_semaphore, #tpu.memory_space<semaphore_mem>>)
        %dma_wait3A = arith.constant 0 : i32
        %dma_wait3A_204 = tpu.memref_slice %arg17[%add3A_191, %dma_wait3A] : memref<10240x128xf32, #tpu.memory_space<vmem_shared>> -> memref<80x128xf32, #tpu.memory_space<vmem_shared>>
        %dma_wait3A_205 = arith.constant 0 : i32
        %dma_wait3A_206 = tpu.memref_slice %arg17[%add3A_191, %dma_wait3A_205] : memref<10240x128xf32, #tpu.memory_space<vmem_shared>> -> memref<80x128xf32, #tpu.memory_space<vmem_shared>>
        tpu.wait_dma2 semaphore(%run_scoped3A_200 : memref<!tpu.dma_semaphore, #tpu.memory_space<semaphore_mem>>) src(%dma_wait3A_206 : memref<80x128xf32, #tpu.memory_space<vmem_shared>>) dst(%arg11 : memref<80x128xf32, #tpu.memory_space<vmem>>)
        tpu.yield
      }) : () -> ()
      %scan3A_192 = arith.constant 0 : i32
      %scan3A_193 = arith.constant 0 : i32
      %scan3A_194 = arith.constant 80 : i32
      %scan3A_195 = arith.addi %scan3A_193, %scan3A_194 : i32
      %scan3A_196 = arith.constant 1 : i32
      %scan3A_197 = scf.for %scan3A_200 = %scan3A_193 to %scan3A_195 step %scan3A_196 iter_args(%scan3A_201 = %scan3A_192) -> (i32)  : i32 {
        %broadcast_in_dim3A_202 = arith.constant 0 : i32
        %broadcast_in_dim3A_203 = vector.broadcast %broadcast_in_dim3A_202 : i32 to vector<16xi32>
        %mul3A_204 = arith.constant 80 : i32
        %mul3A_205 = arith.muli %scan3A_187, %mul3A_204 : i32
        %add3A_206 = arith.addi %mul3A_205, %scan3A_200 : i32
        %add3A_207 = vector.broadcast %add3A_206 : i32 to vector<16xi32>
        %add3A_208 = arith.addi %broadcast_in_dim3A_203, %add3A_207 : vector<16xi32>
        %gather3A = tpu.vector_load_idx %arg15[%add3A_208] : memref<10240xf32, #tpu.memory_space<vmem>>[vector<16xi32>], vector<16xf32>,
        %get3A = arith.index_cast %scan3A_200 : i32 to index
        %get3A_209 = arith.constant 0 : index
        %get3A_210 = tpu.vector_load %arg11[%get3A, %get3A_209] {strides = array<i32>} : memref<80x128xf32, #tpu.memory_space<vmem>>, vector<16xf32>,
        %mul3A_211 = arith.mulf %get3A_210, %gather3A : vector<16xf32>
        %swap3A = arith.index_cast %scan3A_200 : i32 to index
        %swap3A_212 = arith.constant 0 : index
        %swap3A_213 = tpu.vector_load %arg11[%swap3A, %swap3A_212] {strides = array<i32>} : memref<80x128xf32, #tpu.memory_space<vmem>>, vector<16xf32>,
        tpu.vector_store %arg11[%swap3A, %swap3A_212], %mul3A_211 {strides = array<i32>} : memref<80x128xf32, #tpu.memory_space<vmem>>, vector<16xf32>,
        %get3A_214 = arith.index_cast %scan3A_200 : i32 to index
        %get3A_215 = arith.constant 16 : index
        %get3A_216 = tpu.vector_load %arg11[%get3A_214, %get3A_215] {strides = array<i32>} : memref<80x128xf32, #tpu.memory_space<vmem>>, vector<16xf32>,
        %mul3A_217 = arith.mulf %get3A_216, %gather3A : vector<16xf32>
        %swap3A_218 = arith.index_cast %scan3A_200 : i32 to index
        %swap3A_219 = arith.constant 16 : index
        %swap3A_220 = tpu.vector_load %arg11[%swap3A_218, %swap3A_219] {strides = array<i32>} : memref<80x128xf32, #tpu.memory_space<vmem>>, vector<16xf32>,
        tpu.vector_store %arg11[%swap3A_218, %swap3A_219], %mul3A_217 {strides = array<i32>} : memref<80x128xf32, #tpu.memory_space<vmem>>, vector<16xf32>,
        %get3A_221 = arith.index_cast %scan3A_200 : i32 to index
        %get3A_222 = arith.constant 32 : index
        %get3A_223 = tpu.vector_load %arg11[%get3A_221, %get3A_222] {strides = array<i32>} : memref<80x128xf32, #tpu.memory_space<vmem>>, vector<16xf32>,
        %mul3A_224 = arith.mulf %get3A_223, %gather3A : vector<16xf32>
        %swap3A_225 = arith.index_cast %scan3A_200 : i32 to index
        %swap3A_226 = arith.constant 32 : index
        %swap3A_227 = tpu.vector_load %arg11[%swap3A_225, %swap3A_226] {strides = array<i32>} : memref<80x128xf32, #tpu.memory_space<vmem>>, vector<16xf32>,
        tpu.vector_store %arg11[%swap3A_225, %swap3A_226], %mul3A_224 {strides = array<i32>} : memref<80x128xf32, #tpu.memory_space<vmem>>, vector<16xf32>,
        %get3A_228 = arith.index_cast %scan3A_200 : i32 to index
        %get3A_229 = arith.constant 48 : index
        %get3A_230 = tpu.vector_load %arg11[%get3A_228, %get3A_229] {strides = array<i32>} : memref<80x128xf32, #tpu.memory_space<vmem>>, vector<16xf32>,
        %mul3A_231 = arith.mulf %get3A_230, %gather3A : vector<16xf32>
        %swap3A_232 = arith.index_cast %scan3A_200 : i32 to index
        %swap3A_233 = arith.constant 48 : index
        %swap3A_234 = tpu.vector_load %arg11[%swap3A_232, %swap3A_233] {strides = array<i32>} : memref<80x128xf32, #tpu.memory_space<vmem>>, vector<16xf32>,
        tpu.vector_store %arg11[%swap3A_232, %swap3A_233], %mul3A_231 {strides = array<i32>} : memref<80x128xf32, #tpu.memory_space<vmem>>, vector<16xf32>,
        %get3A_235 = arith.index_cast %scan3A_200 : i32 to index
        %get3A_236 = arith.constant 64 : index
        %get3A_237 = tpu.vector_load %arg11[%get3A_235, %get3A_236] {strides = array<i32>} : memref<80x128xf32, #tpu.memory_space<vmem>>, vector<16xf32>,
        %mul3A_238 = arith.mulf %get3A_237, %gather3A : vector<16xf32>
        %swap3A_239 = arith.index_cast %scan3A_200 : i32 to index
        %swap3A_240 = arith.constant 64 : index
        %swap3A_241 = tpu.vector_load %arg11[%swap3A_239, %swap3A_240] {strides = array<i32>} : memref<80x128xf32, #tpu.memory_space<vmem>>, vector<16xf32>,
        tpu.vector_store %arg11[%swap3A_239, %swap3A_240], %mul3A_238 {strides = array<i32>} : memref<80x128xf32, #tpu.memory_space<vmem>>, vector<16xf32>,
        %get3A_242 = arith.index_cast %scan3A_200 : i32 to index
        %get3A_243 = arith.constant 80 : index
        %get3A_244 = tpu.vector_load %arg11[%get3A_242, %get3A_243] {strides = array<i32>} : memref<80x128xf32, #tpu.memory_space<vmem>>, vector<16xf32>,
        %mul3A_245 = arith.mulf %get3A_244, %gather3A : vector<16xf32>
        %swap3A_246 = arith.index_cast %scan3A_200 : i32 to index
        %swap3A_247 = arith.constant 80 : index
        %swap3A_248 = tpu.vector_load %arg11[%swap3A_246, %swap3A_247] {strides = array<i32>} : memref<80x128xf32, #tpu.memory_space<vmem>>, vector<16xf32>,
        tpu.vector_store %arg11[%swap3A_246, %swap3A_247], %mul3A_245 {strides = array<i32>} : memref<80x128xf32, #tpu.memory_space<vmem>>, vector<16xf32>,
        %get3A_249 = arith.index_cast %scan3A_200 : i32 to index
        %get3A_250 = arith.constant 96 : index
        %get3A_251 = tpu.vector_load %arg11[%get3A_249, %get3A_250] {strides = array<i32>} : memref<80x128xf32, #tpu.memory_space<vmem>>, vector<16xf32>,
        %mul3A_252 = arith.mulf %get3A_251, %gather3A : vector<16xf32>
        %swap3A_253 = arith.index_cast %scan3A_200 : i32 to index
        %swap3A_254 = arith.constant 96 : index
        %swap3A_255 = tpu.vector_load %arg11[%swap3A_253, %swap3A_254] {strides = array<i32>} : memref<80x128xf32, #tpu.memory_space<vmem>>, vector<16xf32>,
        tpu.vector_store %arg11[%swap3A_253, %swap3A_254], %mul3A_252 {strides = array<i32>} : memref<80x128xf32, #tpu.memory_space<vmem>>, vector<16xf32>,
        %get3A_256 = arith.index_cast %scan3A_200 : i32 to index
        %get3A_257 = arith.constant 112 : index
        %get3A_258 = tpu.vector_load %arg11[%get3A_256, %get3A_257] {strides = array<i32>} : memref<80x128xf32, #tpu.memory_space<vmem>>, vector<16xf32>,
        %mul3A_259 = arith.mulf %get3A_258, %gather3A : vector<16xf32>
        %swap3A_260 = arith.index_cast %scan3A_200 : i32 to index
        %swap3A_261 = arith.constant 112 : index
        %swap3A_262 = tpu.vector_load %arg11[%swap3A_260, %swap3A_261] {strides = array<i32>} : memref<80x128xf32, #tpu.memory_space<vmem>>, vector<16xf32>,
        tpu.vector_store %arg11[%swap3A_260, %swap3A_261], %mul3A_259 {strides = array<i32>} : memref<80x128xf32, #tpu.memory_space<vmem>>, vector<16xf32>,
        %scan3A_263 = arith.constant 0 : i32
        scf.yield %scan3A_263 : i32
      }
      %scan3A_198 = arith.constant 80 : i32
      "tpu.region"() ({
        %run_scoped3A_200 = tpu.sem_alloc : memref<!tpu.dma_semaphore, #tpu.memory_space<semaphore_mem>>
        %dma_start3A = arith.constant 0 : i32
        %dma_start3A_201 = tpu.memref_slice %arg6[%arg0, %add3A_191, %dma_start3A] : memref<2x10240x128xf32, #tpu.memory_space<hbm>> -> memref<1x80x128xf32, #tpu.memory_space<hbm>>
        %dma_start3A_202 = tpu.memref_squeeze %dma_start3A_201 : memref<1x80x128xf32, #tpu.memory_space<hbm>> -> memref<80x128xf32, #tpu.memory_space<hbm>>
        %dma_start3A_203 = arith.constant 0 : i32
        %dma_start3A_204 = tpu.memref_slice %arg6[%arg0, %add3A_191, %dma_start3A_203] : memref<2x10240x128xf32, #tpu.memory_space<hbm>> -> memref<1x80x128xf32, #tpu.memory_space<hbm>>
        %dma_start3A_205 = tpu.memref_squeeze %dma_start3A_204 : memref<1x80x128xf32, #tpu.memory_space<hbm>> -> memref<80x128xf32, #tpu.memory_space<hbm>>
        tpu.enqueue_dma source(%arg11 : memref<80x128xf32, #tpu.memory_space<vmem>>) target(%dma_start3A_205 : memref<80x128xf32, #tpu.memory_space<hbm>>) target_semaphore(%run_scoped3A_200 : memref<!tpu.dma_semaphore, #tpu.memory_space<semaphore_mem>>)
        %dma_wait3A = arith.constant 0 : i32
        %dma_wait3A_206 = tpu.memref_slice %arg6[%arg0, %add3A_191, %dma_wait3A] : memref<2x10240x128xf32, #tpu.memory_space<hbm>> -> memref<1x80x128xf32, #tpu.memory_space<hbm>>
        %dma_wait3A_207 = tpu.memref_squeeze %dma_wait3A_206 : memref<1x80x128xf32, #tpu.memory_space<hbm>> -> memref<80x128xf32, #tpu.memory_space<hbm>>
        %dma_wait3A_208 = arith.constant 0 : i32
        %dma_wait3A_209 = tpu.memref_slice %arg6[%arg0, %add3A_191, %dma_wait3A_208] : memref<2x10240x128xf32, #tpu.memory_space<hbm>> -> memref<1x80x128xf32, #tpu.memory_space<hbm>>
        %dma_wait3A_210 = tpu.memref_squeeze %dma_wait3A_209 : memref<1x80x128xf32, #tpu.memory_space<hbm>> -> memref<80x128xf32, #tpu.memory_space<hbm>>
        tpu.wait_dma2 semaphore(%run_scoped3A_200 : memref<!tpu.dma_semaphore, #tpu.memory_space<semaphore_mem>>) src(%arg11 : memref<80x128xf32, #tpu.memory_space<vmem>>) dst(%dma_wait3A_210 : memref<80x128xf32, #tpu.memory_space<hbm>>)
        tpu.yield
      }) : () -> ()
      %scan3A_199 = arith.constant 0 : i32
      scf.yield %scan3A_199 : i32
    }
    %scan3A_186 = arith.constant 8 : i32
    return
  }
}

</mosaic_0001>

<sc_bundles>
// kernel: kernel.3.cloned.1.call-start
scs
__scs_entry_jumppad:
0x0: {  	(pc) =	sbr.rel $0x88, $3  }
0x1: {  	(tag) =	ssettag $0x0;
	lr =	simm.s32 $0x1  }
0x2: {  	[smem:$0x3F9D] =	sst lr;
	_ =	strace $0xD0000000  }
0x3: {  	_ = 	snop  }
0x4: {  	_ = 	snop  }
0x5: {  	_ = 	snop  }
0x6: {  	_ = 	snop  }
0x7: {  	_ = 	snop  }
__scs_overlays_trampoline_lowered:
0x8: {  	[smem:$0x3FAC] =	sst s0  }
0x9: {  	[smem:$0x3FAD] =	sst s1  }
0xa: {  	[smem:$0x3FAE] =	sst s2  }
0xb: {  	[smem:$0x3FAF] =	sst s3  }
0xc: {  	[smem:$0x3FB0] =	sst s4  }
0xd: {  	[smem:$0x3FB1] =	sst s5  }
0xe: {  	[smem:$0x3FB2] =	sst s6  }
0xf: {  	[smem:$0x3FB3] =	sst s7  }
0x10: {  	[smem:$0x3FB4] =	sst s8  }
0x11: {  	[smem:$0x3FB5] =	sst s9;
	s0 =	simm.s32 @!p0 $0x0  }
0x12: {  	s1 =	sld [smem:$0x3F9B];
	s0 =	simm.s32 @p0 $0x1  }
0x13: {  	[smem:$0x3FB6] =	sst s0;
	s0 =	simm.s32 @!p1 $0x0  }
0x14: {  	s2 =	sld [smem:$0x3F9A];
	s0 =	simm.s32 @p1 $0x1  }
0x15: {  	[smem:$0x3FB7] =	sst s0;
	s0 =	simm.s32 @!p2 $0x0  }
0x16: {  	s3 =	sld [smem:$0x3FDB];
	s0 =	simm.s32 @p2 $0x1  }
0x17: {  	s4 =	simm.s32 $0x1BF5;
	[smem:$0x3FB9] =	sst s0  }
0x18: {  	s0 =	sld [smem:$0x3F9C];
	_ =	swait.ge [sflag:s4], $0x0  }
0x19: {  	s7 =	sld [smem:$0x3F9D]  }
0x1a: {  	s8 =	sadd.s32 $0xFFFFE003, lr  }
0x1b: {  	s9 =	sadd.s32 $0xFFFFFEF7, lr;
	s5 =	simm.s32 $0xFFFFFFFF;
	p2 =	slt.u32 s8, $0xFFFFF086  }
0x1c: {  	p1 =	slt.u32 s9, $0xF7A;
	s5 =	simm.s32 @!p2 $0x0  }
0x1d: {  	s5 =	simm.s32 @p1 $0x1;
	p0 =	seq.s32 s7, s2  }
0x1e: {  	s7 =	smul.u32 @!p0 $0xF7A, s2;
	p2 =	seq.s32 @!p0 s5, $0x0  }
0x1f: {  	s9 =	smul.u32 $0xF7A, s1;
	s8 =	simm.s32 @!p0 $0x1BF5;
	p2 =	por !p2, p0  }
0x20: {  	[sflag:s8] =	ssyncset.s32 @!p0 $0xFFFFF086;
	s6 =	sadd.s32 @!p0 s3, s7;
	s7 =	simm.s32 @!p0 $0x108  }
0x21: {  	s3 =	sadd.s32 s3, s9;
	s6 =	sadd.s32 @!p0 $0x88, s6;
	s7 =	simm.s32 @p2 $0x1082  }
0x22: {  	[simem:s7], [sflag:s8] =	dma.local @!p0 [hbm:s6], $0xF7A  }
0x23: {  	s9 =	sor.u32 $0xD0000000, s2;
	s6 =	simm.s32 $0x108;
	_ =	swait.ge @!p0 [sflag:s8], $0x0  }
0x24: {  	s3 =	sadd.s32 $0x88, s3;
	s6 =	simm.s32 @!p1 $0x1082;
	[sflag:s4] =	ssyncset.s32 $0xFFFFF086  }
0x25: {  	[simem:s6], [sflag:s4] =	dma.local [hbm:s3], $0xF7A  }
0x26: {  	[smem:$0x3F9D] =	sst s1;
	(tag) =	ssettag s2;
	_ =	strace s9  }
0x27: {  	s1 =	sld [smem:$0x3FAD]  }
0x28: {  	s2 =	sld [smem:$0x3FAE]  }
0x29: {  	s4 =	sld [smem:$0x3FB0]  }
0x2a: {  	p0 =	seq.s32 s5, $0x0;
	s5 =	sld [smem:$0x3FB1]  }
0x2b: {  	s6 =	sld [smem:$0x3FB2]  }
0x2c: {  	s7 =	sld [smem:$0x3FB3]  }
0x2d: {  	s3 =	simm.s32 $0x108;
	s8 =	sld [smem:$0x3FB4]  }
0x2e: {  	s3 =	simm.s32 @!p0 $0x1082;
	s9 =	sld [smem:$0x3FB5]  }
0x2f: {  	lr =	sadd.s32 s0, s3;
	s0 =	sld [smem:$0x3FAC]  }
0x30: {  	s3 =	sld [smem:$0x3FAF]  }
0x31: {  	[smem:$0x3FB8] =	sst s10  }
0x32: {  	s10 =	sld [smem:$0x3FB6];
	_ =	sdelay $0x3  }
0x33: {  	p0 =	seq.s32 s10, $0x1;
	s10 =	sld [smem:$0x3FB8];
	_ =	sdelay $0x3  }
0x34: {  	[smem:$0x3FB8] =	sst s10  }
0x35: {  	s10 =	sld [smem:$0x3FB7];
	_ =	sdelay $0x3  }
0x36: {  	p1 =	seq.s32 s10, $0x1;
	s10 =	sld [smem:$0x3FB8];
	_ =	sdelay $0x3  }
0x37: {  	[smem:$0x3FB8] =	sst s10  }
0x38: {  	s10 =	sld [smem:$0x3FB9]  }
0x39: {  	_ = 	snop;
	(pc) =	sbr.ind lr, $3  }
0x3a: {  	_ = 	snop  }
0x3b: {  	_ = 	snop  }
0x3c: {  	p2 =	seq.s32 s10, $0x1;
	s10 =	sld [smem:$0x3FB8]  }
0x3d: {  	_ =	shalt  }
0x3e: {  	_ =	shalt  }
0x3f: {  	_ =	shalt  }
0x40: {  	_ =	shalt  }
0x41: {  	_ =	shalt  }
0x42: {  	_ =	shalt  }
0x43: {  	_ =	shalt  }
0x44: {  	_ =	shalt  }
0x45: {  	_ =	shalt  }
0x46: {  	_ =	shalt  }
0x47: {  	_ =	shalt  }
0x48: {  	_ =	shalt  }
0x49: {  	_ =	shalt  }
0x4a: {  	_ =	shalt  }
0x4b: {  	_ =	shalt  }
0x4c: {  	_ =	shalt  }
0x4d: {  	_ =	shalt  }
0x4e: {  	_ =	shalt  }
0x4f: {  	_ =	shalt  }
0x50: {  	_ =	shalt  }
0x51: {  	_ =	shalt  }
0x52: {  	_ =	shalt  }
0x53: {  	_ =	shalt  }
0x54: {  	_ =	shalt  }
0x55: {  	_ =	shalt  }
0x56: {  	_ =	shalt  }
0x57: {  	_ =	shalt  }
0x58: {  	_ =	shalt  }
0x59: {  	_ =	shalt  }
0x5a: {  	_ =	shalt  }
0x5b: {  	_ =	shalt  }
0x5c: {  	_ =	shalt  }
0x5d: {  	_ =	shalt  }
0x5e: {  	_ =	shalt  }
0x5f: {  	_ =	shalt  }
0x60: {  	_ =	shalt  }
0x61: {  	_ =	shalt  }
0x62: {  	_ =	shalt  }
0x63: {  	_ =	shalt  }
0x64: {  	_ =	shalt  }
0x65: {  	_ =	shalt  }
0x66: {  	_ =	shalt  }
0x67: {  	_ =	shalt  }
0x68: {  	_ =	shalt  }
0x69: {  	_ =	shalt  }
0x6a: {  	_ =	shalt  }
0x6b: {  	_ =	shalt  }
0x6c: {  	_ =	shalt  }
0x6d: {  	_ =	shalt  }
0x6e: {  	_ =	shalt  }
0x6f: {  	_ =	shalt  }
0x70: {  	_ =	shalt  }
0x71: {  	_ =	shalt  }
0x72: {  	_ =	shalt  }
0x73: {  	_ =	shalt  }
0x74: {  	_ =	shalt  }
0x75: {  	_ =	shalt  }
0x76: {  	_ =	shalt  }
0x77: {  	_ =	shalt  }
0x78: {  	_ =	shalt  }
0x79: {  	_ =	shalt  }
0x7a: {  	_ =	shalt  }
0x7b: {  	_ =	shalt  }
0x7c: {  	_ =	shalt  }
0x7d: {  	_ =	shalt  }
0x7e: {  	_ =	shalt  }
0x7f: {  	_ =	shalt  }
0x80: {  	_ =	shalt  }
0x81: {  	_ =	shalt  }
0x82: {  	_ =	shalt  }
0x83: {  	_ =	shalt  }
0x84: {  	_ =	shalt  }
0x85: {  	_ =	shalt  }
0x86: {  	_ =	shalt  }
0x87: {  	_ =	shalt  }
.Lfunc_end0:
.L_simem_size_0:
called_computation_lowered:
.L_overlay_start_0:
0x88: {  	s2 =	sld [smem:$0x3FD9]  }
0x89: {  	s3 =	sld [smem:$0x3FFE];
	_ =	sdelay $0x1  }
0x8a: {  	s1 =	srdreg.scid  }
0x8b: {  	s0 =	sand.u32 $0x1, s1  }
0x8c: {  	s14 =	sshll.u32 s0, $0xA;
	s2 =	sadd.s32 s3, s2  }
0x8d: {  	s2 =	sadd.s32 s2, s14  }
0x8e: {  	[smem:$0x3FC4] =	sst s2  }
0x8f: {  	_ = 	snop  }
0x90: {  	s2 =	sld [smem:$0x3FD0];
	_ =	sdelay $0x2  }
0x91: {  	s15 =	simm.s32 $0xA;
	s4 =	simm.s32 $0x10  }
0x92: {  	[smem:s4], [sflag:s15] =	dma.local [hbm:s2], $0x1  }
0x93: {  	_ =	swait.eq [sflag:s15], $0x1  }
0x94: {  	[sflag:s15] =	ssyncset.done $0x0  }
0x95: {  	s16 =	sld [smem:$0x10];
	[sflag:s15] =	ssyncadd.s32 $0xFFFFFFFF  }
0x96: {  	s17 =	sld [smem:$0x11];
	(tm) =	ssettm $0x1  }
0x97: {  	s18 =	sld [smem:$0x3FFB];
	_ =	sdelay $0x3  }
0x98: {  	_ =	strace s18  }
0x99: {  	s4 =	sld [smem:$0x3FFC];
	_ =	sdelay $0x3  }
0x9a: {  	_ =	strace s4  }
0x9b: {  	s4 =	sld [smem:$0x3FFD];
	_ =	sdelay $0x3  }
0x9c: {  	_ =	strace s4  }
0x9d: {  	_ =	strace $0x8FFFFFFF  }
0x9e: {  	s19 =	sld [smem:$0x3FDB];
	_ =	sdelay $0x1  }
0x9f: {  	s5 =	simm.s32 $_scs_section_size  }
0xa0: {  	s6 =	simm.s32 $_size__tile_overlayer_lowered;
	s7 =	simm.s32 $_tile_overlayer_lowered  }
0xa1: {  	s22 =	simm.s32 $0x1BFF;
	s21 =	sshll.u32 s7, $0x1;
	s4 =	sadd.s32 s5, s19  }
0xa2: {  	s8 =	simm.s32 $0x0;
	s20 =	sshll.u32 s6, $0x1;
	s6 =	sadd.s32 s21, s4  }
0xa3: {  	[timem:s8], [sflag:s22] =	dma.local [hbm:s6], s20  }
0xa4: {  	_ =	swait.ge [sflag:s22], s20  }
0xa5: {  	s5 =	ssub.s32 $0x0, s20;
	[sflag:s22] =	ssyncset.done $0x0  }
0xa6: {  	[sflag:s22] =	ssyncadd.s32 s5;
	_ =	sdelay $0x1  }
0xa7: {  	s23 =	simm.s32 $0x1B8B  }
0xa8: {  	_ =	swait.ge [sflag:s23], $0x1  }
0xa9: {  	[sflag:s23] =	ssyncset.done $0x0  }
0xaa: {  	s25 =	simm.s32 $0x1B8E;
	s24 =	sld [smem:$0x3FFE];
	[sflag:s23] =	ssyncadd.s32 $0xFFFFFFFF  }
0xab: {  	s26 =	simm.s32 $execute0_lowered;
	[smem:$0x3FD2] =	sst s25  }
0xac: {  	s6 =	sshll.u32 s26, $0x1;
	_ =	strace $0x80000046;
	[dreg:$0x1] =	wrdreg $0xFFFFFFFF  }
0xad: {  	s28 =	simm.s32 $_size_execute0_lowered;
	s4 =	sadd.s32 s4, s6;
	[dreg:$0x0] =	wrdreg $0x0  }
0xae: {  	s6 =	sshll.u32 s28, $0x1;
	[dreg:$0x2] =	wrdreg s4  }
0xaf: {  	[dreg:$0x3] =	wrdreg s6  }
0xb0: {  	[dreg:$0x4] =	wrdreg $0xC0  }
0xb1: {  	_ =	task [dreg:s8], $0x5FFFF  }
0xb2: {  	[dreg:$0x1] =	wrdreg $0xFFFFFFFF  }
0xb3: {  	[dreg:$0x0] =	wrdreg $0x60  }
0xb4: {  	[dreg:$0x2] =	wrdreg s24  }
0xb5: {  	[dreg:$0x3] =	wrdreg s16  }
0xb6: {  	[dreg:$0x4] =	wrdreg s17  }
0xb7: {  	[dreg:$0x5] =	wrdreg $0xA3000  }
0xb8: {  	[dreg:$0x6] =	wrdreg $0x9  }
0xb9: {  	_ =	task.clear_ibuf [dreg:s8], $0x7FFFF;
	_ =	strace $0x90000046  }
0xba: {  	s29 =	simm.s32 $0x9;
	_ =	strace $0x80000048  }
0xbb: {  	_ =	swait.ge [sflag:s29], $0x1  }
0xbc: {  	[sflag:s29] =	ssyncadd.s32 $0xFFFFFFFF  }
0xbd: {  	_ =	strace $0x90000048  }
0xbe: {  	_ =	sfence  }
0xbf: {  	s30 =	sld [smem:$0x0];
	_ =	sdelay $0x2  }
0xc0: {  	s31 =	sshll.u32 s1, $0xD;
	s1 =	sshrl.u32 s1, $0x2  }
0xc1: {  	s3 =	sand.u32 $0x4000, s31;
	s1 =	sadd.s32 s1, s30  }
0xc2: {  	s0 =	sor.u32 s3, s0;
	s1 =	sshll.u32 s1, $0x11  }
0xc3: {  	s0 =	sor.u32 s1, s0  }
0xc4: {  	s0 =	sadd.s32 $0x8F2B, s0  }
0xc5: {  	[sflag:s0] =	ssyncadd.remote.s32 $0x1  }
0xc6: {  	_ =	sfence.sel $0xFFFF  }
0xc7: {  	[dreg:$0x0] =	wrdreg $0xFFFFFFFF;
	(pc) =	sbr.abs _section_cstart, $3  }
0xc8: {  	[dreg:$0x1] =	wrdreg $0xFFFFFFFF  }
0xc9: {  	_ =	task.clear_ibuf [dreg:s8], $0x2FFFF;
	_ =	strace $0x9FFFFFFF  }
0xca: {  	(tm) =	ssettm $0x7FFFFFFF  }
0xcb: {  	_ =	shalt  }
tec
execute0_lowered:
.L_overlay_start_1:
0x0: {  	(tag) =	ssettag $0x1  }
0x1: {  	s0 =	rddreg [dreg:$0x0]  }
0x2: {  	s1 =	rddreg [dreg:$0x1]  }
0x3: {  	s2 =	rddreg [dreg:$0x2]  }
0x4: {  	s3 =	rddreg [dreg:$0x3];
	s5 =	simm.s32 $0x0;
	s4 =	srdreg.scid  }
0x5: {  	s15 =	stileid.u32;
	[smem:$0x7FF] =	sst s5  }
0x6: {  	s6 =	sadd.s32 $0x14200, s0;
	s4 =	sand.u32 $0x1, s4;
	s9 =	smul.u32 $0x50000, s15  }
0x7: {  	s7 =	sadd.s32 $0x800, s0;
	s8 =	sadd.s32 $0x6C400, s0;
	s0 =	sadd.s32 $0x62400, s0  }
0x8: {  	_ =	strace $0x80000047;
	s10 =	ssub.s32 $0x2, s4;
	s12 =	sshrl.u32 s9, $0x2  }
0x9: {  	s18 =	sshll.u32 s4, $0x4;
	s11 =	sshrl.u32 s10, $0x1;
	s17 =	sadd.s32 s12, s3  }
0xa: {  	s9 =	smul.u32 $0x280, s15;
	s13 =	sadd.s32 $0x2800, s17;
	[dreg:$0x5] =	wrdreg s17  }
0xb: {  	s14 =	sadd.s32 $0x5000, s17;
	s12 =	sadd.s32 $0x7800, s17;
	[dreg:$0x6] =	wrdreg s13  }
0xc: {  	s20 =	sadd.s32 $0xC800, s17;
	[dreg:$0x7] =	wrdreg s14;
	s13 =	smul.u32 $0x28000, s4  }
0xd: {  	[dreg:$0x8] =	wrdreg s12;
	s14 =	sadd.s32 $0xA000, s17;
	s12 =	sor.u32 s15, s18  }
0xe: {  	[dreg:$0xa] =	wrdreg s20;
	s12 =	smul.u32 $0x500, s12;
	s13 =	sor.u32 s9, s13  }
0xf: {  	s10 =	ssub.s32 s10, s11;
	[dreg:$0x9] =	wrdreg s14;
	s21 =	sshrl.u32 s13, $0x3  }
0x10: {  	s22 =	sadd.s32 $0x2800, s13;
	s12 =	sadd.s32 s0, s12;
	s24 =	sadd.s32 $0x5000, s13  }
0x11: {  	s25 =	sadd.s32 $0x7800, s13;
	s13 =	sadd.s32 $0x14000, s13;
	[dreg:$0xb] =	wrdreg s12  }
0x12: {  	s23 =	sshrl.u32 s22, $0x3;
	s31 =	sshrl.u32 s13, $0x3;
	s13 =	sadd.s32 $0x11800, s17  }
0x13: {  	s12 =	sshrl.u32 s25, $0x3;
	s11 =	sadd.s32 s0, s23;
	[dreg:$0x12] =	wrdreg s13  }
0x14: {  	s19 =	smul.u32 $0x4E20, s15;
	s26 =	sadd.s32 s0, s12;
	[dreg:$0xc] =	wrdreg s11  }
0x15: {  	s18 =	sadd.s32 s0, s21;
	s12 =	smax.u32 s10, $0x1;
	[dreg:$0xe] =	wrdreg s26  }
0x16: {  	s16 =	smul.u32 $0x4E200, s4;
	s14 =	sadd.s32 $0x1400, s18;
	[dreg:$0x11] =	wrdreg s12  }
0x17: {  	s28 =	simm.s32 $0x5300;
	s15 =	sadd.s32 $0x1900, s18;
	[dreg:$0x13] =	wrdreg s14  }
0x18: {  	s16 =	sadd.s32 s19, s16;
	s19 =	sadd.s32 $0x2300, s18;
	[dreg:$0x14] =	wrdreg s15  }
0x19: {  	s29 =	simm.s32 $0x5280;
	s20 =	sadd.s32 $0x2D00, s18;
	[dreg:$0x16] =	wrdreg s19  }
0x1a: {  	s30 =	simm.s32 $0x0;
	s21 =	sadd.s32 $0x3200, s18;
	[dreg:$0x17] =	wrdreg s20  }
0x1b: {  	s22 =	sadd.s32 $0x3700, s18;
	s23 =	sadd.s32 $0x3C00, s18;
	[dreg:$0x18] =	wrdreg s21  }
0x1c: {  	s25 =	sadd.s32 $0x4100, s18;
	s10 =	simm.s32 $0x50;
	[dreg:$0x19] =	wrdreg s22  }
0x1d: {  	v0 =	vlaneseq.u32;
	s11 =	sshrl.u32 s24, $0x3;
	s24 =	smul.u32 $0x140000, s4;
	[dreg:$0x1a] =	wrdreg s23  }
0x1e: {  	v0 =	vmul.u32 $0x10, v0;
	[dreg:$0x1b] =	wrdreg s25;
	s26 =	sadd.s32 $0x4600, s18;
	s23 =	simm.s32 $0x3  }
0x1f: {  	v1 =	vimm.f32 $0.0e+00;
	s25 =	simm.s32 $0x80;
	s11 =	sadd.s32 s0, s11;
	[dreg:$0x1c] =	wrdreg s26  }
0x20: {  	v2 =	vor.u32 $0x1, v0;
	v3 =	vor.u32 $0x2, v0;
	v4 =	vor.u32 $0x3, v0;
	s19 =	simm.s32 $0x2980;
	s0 =	sadd.s32 s0, s31;
	[dreg:$0xd] =	wrdreg s11  }
0x21: {  	v5 =	vor.u32 $0x4, v0;
	v6 =	vor.u32 $0x5, v0;
	v7 =	vor.u32 $0x6, v0;
	s20 =	simm.s32 $0x1;
	s31 =	sadd.s32 $0x4B00, s18;
	[dreg:$0xf] =	wrdreg s0  }
0x22: {  	v8 =	vor.u32 $0x7, v0;
	v9 =	vor.u32 $0x8, v0;
	v10 =	vor.u32 $0x9, v0;
	s21 =	simm.s32 $0x2;
	s11 =	sadd.s32 $0xF000, s17;
	[dreg:$0x1d] =	wrdreg s31  }
0x23: {  	v11 =	vor.u32 $0xA, v0;
	v12 =	vor.u32 $0xB, v0;
	v13 =	vor.u32 $0xC, v0;
	s22 =	simm.s32 $0x5180;
	s17 =	sadd.s32 $0x1E00, s18;
	[dreg:$0x10] =	wrdreg s11  }
0x24: {  	v14 =	vor.u32 $0xD, v0;
	v15 =	vor.u32 $0xE, v0;
	v16 =	vor.u32 $0xF, v0;
	s26 =	simm.s32 $0x100;
	[dreg:$0x15] =	wrdreg s17;
	s17 =	simm.s32 $0x180  }
.LBB2_1:
0x25: {  	s0 =	simm.s32 $0x0  }
.LBB2_2:
0x26: {  	p0 =	sne.s32 s0, $0x9FC0  }
.Ltmp0:
0x27: {  	_ = 	snop;
	(pc) =	sbr.rel @p0 .LBB2_2-.Ltmp0, $3  }
0x28: {  	_ =	sdelay $0x1  }
0x29: {  	s4 =	sshra.s32 s0, $0x2  }
0x2a: {  	s0 =	sadd.s32 $0x40, s0;
	[tilespmem:s4+$0x5300] =	vst v1  }
0x2b: {  	s0 =	simm.s32 $0x0  }
0x2c: {  	s4 =	sand.u32 $0xFE00, s0  }
0x2d: {  	s11 =	sand.u32 $0x70, s0;
	s12 =	sshrl.u32 s4, $0x2  }
0x2e: {  	s4 =	simm.s32 $0x40;
	s11 =	sor.u32 s11, s12  }
.LBB2_4:
0x2f: {  	p0 =	sne.s32 s4, $0x9FC0  }
0x30: {  	[tilespmem:s11+$0x180] =	vst v1;
	s0 =	sadd.s32 $0x10, s0;
	s11 =	smov.u32 s4;
	s4 =	sadd.s32 $0x40, s4  }
.Ltmp1:
0x31: {  	(pc) =	sbr.rel @p0 .LBB2_4-.Ltmp1, $4  }
0x32: {  	_ = 	snop  }
0x33: {  	s11 =	sand.u32 $0xFE00, s11  }
0x34: {  	s12 =	sand.u32 $0x70, s0;
	s11 =	sshrl.u32 s11, $0x2  }
0x35: {  	s11 =	sor.u32 s12, s11  }
0x36: {  	[tilespmem:s11+$0x180] =	vst v1;
	s0 =	rddreg [dreg:$0x5]  }
0x37: {  	[spmem:s0] =	stream.linear.scatter [tilespmem:s17], [sflag:$0x3], $0x2800, $0x38;
	[tilespmem:$0x1E300] =	vst v63  }
0x38: {  	_ =	swait.ge [sflag:s23], $0x2800  }
0x39: {  	[sflag:s23] =	ssyncset.done $0x0  }
0x3a: {  	s15 =	rddreg [dreg:$0x6];
	[sflag:s23] =	ssyncadd.s32 $0xFFFFD800  }
0x3b: {  	[spmem:s15] =	stream.linear.scatter [tilespmem:s17], [sflag:$0x3], $0x2800, $0x38;
	[tilespmem:$0x1E300] =	vst v63  }
0x3c: {  	_ =	swait.ge [sflag:s23], $0x2800  }
0x3d: {  	[sflag:s23] =	ssyncset.done $0x0  }
0x3e: {  	s4 =	rddreg [dreg:$0x7];
	[sflag:s23] =	ssyncadd.s32 $0xFFFFD800  }
0x3f: {  	[spmem:s4] =	stream.linear.scatter [tilespmem:s17], [sflag:$0x3], $0x2800, $0x38;
	[tilespmem:$0x1E300] =	vst v63  }
0x40: {  	_ =	swait.ge [sflag:s23], $0x2800  }
0x41: {  	[sflag:s23] =	ssyncset.done $0x0  }
0x42: {  	s11 =	rddreg [dreg:$0x8];
	[sflag:s23] =	ssyncadd.s32 $0xFFFFD800  }
0x43: {  	[spmem:s11] =	stream.linear.scatter [tilespmem:s17], [sflag:$0x3], $0x2800, $0x38;
	[tilespmem:$0x1E300] =	vst v63  }
0x44: {  	_ =	swait.ge [sflag:s23], $0x2800  }
0x45: {  	[sflag:s23] =	ssyncset.done $0x0  }
0x46: {  	s12 =	rddreg [dreg:$0x9];
	[sflag:s23] =	ssyncadd.s32 $0xFFFFD800  }
0x47: {  	[spmem:s12] =	stream.linear.scatter [tilespmem:s17], [sflag:$0x3], $0x2800, $0x38;
	[tilespmem:$0x1E300] =	vst v63  }
0x48: {  	_ =	swait.ge [sflag:s23], $0x2800  }
0x49: {  	[sflag:s23] =	ssyncset.done $0x0  }
0x4a: {  	s13 =	rddreg [dreg:$0xa];
	[sflag:s23] =	ssyncadd.s32 $0xFFFFD800  }
0x4b: {  	[spmem:s13] =	stream.linear.scatter [tilespmem:s17], [sflag:$0x3], $0x2800, $0x38;
	[tilespmem:$0x1E300] =	vst v63  }
0x4c: {  	_ =	swait.ge [sflag:s23], $0x2800  }
0x4d: {  	[sflag:s23] =	ssyncset.done $0x0  }
0x4e: {  	s14 =	rddreg [dreg:$0x10];
	[sflag:s23] =	ssyncadd.s32 $0xFFFFD800  }
0x4f: {  	[spmem:s14] =	stream.linear.scatter [tilespmem:s17], [sflag:$0x3], $0x2800, $0x38;
	[tilespmem:$0x1E300] =	vst v63  }
0x50: {  	_ =	swait.ge [sflag:s23], $0x2800  }
0x51: {  	[sflag:s23] =	ssyncset.done $0x0  }
0x52: {  	s15 =	rddreg [dreg:$0x12];
	[sflag:s23] =	ssyncadd.s32 $0xFFFFD800  }
0x53: {  	[spmem:s15] =	stream.linear.scatter [tilespmem:s17], [sflag:$0x3], $0x2800, $0x38;
	[tilespmem:$0x1E300] =	vst v63  }
0x54: {  	_ =	swait.ge [sflag:s23], $0x2800  }
0x55: {  	[sflag:s23] =	ssyncset.done $0x0  }
0x56: {  	[sflag:s23] =	ssyncadd.s32 $0xFFFFD800  }
0x57: {  	s31 =	simm.s32 $0x0;
	s0 =	simm.s32 $0x0;
	[bflag:$0x0] =	sbarrier.arrive $0xFFFF  }
.LBB2_6:
0x58: {  	s4 =	smul.u32 $0x50, s31;
	_ =	sdelay $0x1  }
0x59: {  	s4 =	sadd.s32 s4, s16  }
0x5a: {  	s4 =	sshrl.u32 s4, $0x3  }
0x5b: {  	s11 =	sadd.s32 s1, s4  }
0x5c: {  	[tilespmem:s0], [sflag:$0x3] =	stream.linear.gather [hbm4b:s11+s0], $0x50, $0x38;
	[tilespmem:$0x1E300] =	vst v63  }
0x5d: {  	_ =	swait.ge [sflag:s23], $0x50  }
0x5e: {  	[sflag:s23] =	ssyncset.done $0x0  }
0x5f: {  	s15 =	sadd.s32 s7, s4;
	[sflag:s23] =	ssyncadd.s32 $0xFFFFFFB0  }
0x60: {  	[tilespmem:s25], [sflag:$0x3] =	stream.linear.gather [hbm4b:s15+s0], $0x50, $0x38;
	[tilespmem:$0x1E300] =	vst v63  }
0x61: {  	_ =	swait.ge [sflag:s23], $0x50  }
0x62: {  	[sflag:s23] =	ssyncset.done $0x0  }
0x63: {  	s4 =	sadd.s32 s2, s4;
	[sflag:s23] =	ssyncadd.s32 $0xFFFFFFB0  }
0x64: {  	[tilespmem:s26], [sflag:$0x3] =	stream.linear.gather [hbm4b:s4+s0], $0x50, $0x38;
	[tilespmem:$0x1E300] =	vst v63  }
0x65: {  	_ =	swait.ge [sflag:s23], $0x50  }
0x66: {  	[sflag:s23] =	ssyncset.done $0x0  }
0x67: {  	[sflag:s23] =	ssyncadd.s32 $0xFFFFFFB0  }
0x68: {  	[tilespmem:s17], [sflag:$0x1] =	stream.indirect.gather [hbm4b:s6+s10], $0x80, s0, s10, $0xb8;
	[tilespmem:$0x1E300] =	vst v63  }
0x69: {  	_ = 	snop  }
0x6a: {  	[tilespmem:s19], [sflag:$0x2] =	stream.indirect.gather [hbm4b:s6+s10], $0x80, s25, s10, $0xb8;
	[tilespmem:$0x1E300] =	vst v63  }
0x6b: {  	_ =	swait.ge [sflag:s20], $0x2800  }
0x6c: {  	[sflag:s20] =	ssyncset.done $0x0  }
0x6d: {  	[sflag:s20] =	ssyncadd.s32 $0xFFFFD800  }
0x6e: {  	_ =	swait.ge [sflag:s21], $0x2800  }
0x6f: {  	s12 =	simm.s32 $0x0;
	[sflag:s21] =	ssyncset.done $0x0  }
0x70: {  	s11 =	simm.s32 $0x29F0;
	s4 =	simm.s32 $0x1C0;
	[sflag:s21] =	ssyncadd.s32 $0xFFFFD800  }
.LBB2_7:
0x71: {  	v17 =	vmov s11  }
0x72: {  	v18 =	vmov s4;
	_ =	sdelay $0x2  }
0x73: {  	s13 =	simm.s32 $0x0  }
0x74: {  	v19 =	vld.idx.msk [tilespmem:v17+s13+$0xFFFFFF90 ss:$0x1], $0xffff  }
0x75: {  	v20 =	vld.idx.msk [tilespmem:v18+s13+$0xFFFFFFC0 ss:$0x1], $0xffff  }
0x76: {  	v21 =	vld.idx.msk [tilespmem:v18+s13+$0xFFFFFFD0 ss:$0x1], $0xffff  }
0x77: {  	v22 =	vld.idx.msk [tilespmem:v17+s13+$0xFFFFFFA0 ss:$0x1], $0xffff  }
0x78: {  	v23 =	vld.idx.msk [tilespmem:v18+s13+$0xFFFFFFE0 ss:$0x1], $0xffff  }
0x79: {  	v24 =	vld.idx.msk [tilespmem:v17+s13+$0xFFFFFFB0 ss:$0x1], $0xffff  }
0x7a: {  	v25 =	vld.idx.msk [tilespmem:v18+s13+$0xFFFFFFF0 ss:$0x1], $0xffff  }
0x7b: {  	v26 =	vld.idx.msk [tilespmem:v17+s13+$0xFFFFFFC0 ss:$0x1], $0xffff  }
0x7c: {  	v27 =	vld.idx.msk [tilespmem:v18+s13+$0x0 ss:$0x1], $0xffff;
	v19 =	vmul.f32 v19, v20;
	v20 =	vmul.f32 v22, v21  }
0x7d: {  	v21 =	vld.idx.msk [tilespmem:v17+s13+$0xFFFFFFD0 ss:$0x1], $0xffff  }
0x7e: {  	v22 =	vld.idx.msk [tilespmem:v18+s13+$0x10 ss:$0x1], $0xffff;
	v19 =	vadd.f32 v20, v19;
	v20 =	vmul.f32 v24, v23  }
0x7f: {  	v23 =	vld.idx.msk [tilespmem:v17+s13+$0xFFFFFFE0 ss:$0x1], $0xffff  }
0x80: {  	v61 =	vld.idx.msk [tilespmem:v18+s13+$0x20 ss:$0x1], $0xffff;
	v19 =	vadd.f32 v20, v19;
	v20 =	vmul.f32 v26, v25  }
0x81: {  	v62 =	vld.idx.msk [tilespmem:v17+s13+$0xFFFFFFF0 ss:$0x1], $0xffff  }
0x82: {  	v63 =	vld.idx.msk [tilespmem:v18+s13+$0x30 ss:$0x1], $0xffff;
	v19 =	vadd.f32 v20, v19;
	v20 =	vmul.f32 v21, v27  }
0x83: {  	v21 =	vld.idx.msk [tilespmem:v17+s13+$0x0 ss:$0x1], $0xffff  }
0x84: {  	v19 =	vadd.f32 v20, v19;
	v20 =	vmul.f32 v23, v22;
	_ =	sdelay $0x1  }
0x85: {  	v19 =	vadd.f32 v20, v19;
	v20 =	vmul.f32 v62, v61;
	_ =	sdelay $0x1  }
0x86: {  	v19 =	vadd.f32 v20, v19;
	v20 =	vmul.f32 v21, v63;
	_ =	sdelay $0x1  }
0x87: {  	v19 =	vadd.f32 v20, v19  }
0x88: {  	s13 =	simm.s32 $0x5180  }
0x89: {  	s14 =	simm.s32 $0x80;
	[tilespmem:s13+$0x0] =	vst v19  }
0x8a: {  	v19 =	vld.idx.msk [tilespmem:v17+s14+$0xFFFFFF90 ss:$0x1], $0xffff  }
0x8b: {  	v20 =	vld.idx.msk [tilespmem:v18+s14+$0xFFFFFFC0 ss:$0x1], $0xffff  }
0x8c: {  	s15 =	simm.s32 $0x400;
	v21 =	vld.idx.msk [tilespmem:v18+s14+$0xFFFFFFD0 ss:$0x1], $0xffff  }
.LBB2_8:
0x8d: {  	p0 =	sne.s32 s15, $0x1E00;
	v22 =	vld.idx.msk [tilespmem:v17+s14+$0xFFFFFFA0 ss:$0x1], $0xffff  }
0x8e: {  	v23 =	vld.idx.msk [tilespmem:v18+s14+$0xFFFFFFE0 ss:$0x1], $0xffff  }
0x8f: {  	v24 =	vld.idx.msk [tilespmem:v17+s14+$0xFFFFFFB0 ss:$0x1], $0xffff  }
0x90: {  	v25 =	vld.idx.msk [tilespmem:v18+s14+$0xFFFFFFF0 ss:$0x1], $0xffff  }
0x91: {  	v26 =	vld.idx.msk [tilespmem:v17+s14+$0xFFFFFFC0 ss:$0x1], $0xffff  }
0x92: {  	v27 =	vld.idx.msk [tilespmem:v18+s14+$0x0 ss:$0x1], $0xffff  }
0x93: {  	v19 =	vmul.f32 v19, v20;
	v20 =	vmul.f32 v22, v21;
	v21 =	vld.idx.msk [tilespmem:v17+s14+$0xFFFFFFD0 ss:$0x1], $0xffff  }
0x94: {  	v22 =	vld.idx.msk [tilespmem:v18+s14+$0x10 ss:$0x1], $0xffff  }
0x95: {  	v19 =	vadd.f32 v20, v19;
	v20 =	vmul.f32 v24, v23;
	v23 =	vld.idx.msk [tilespmem:v17+s14+$0xFFFFFFE0 ss:$0x1], $0xffff  }
0x96: {  	v24 =	vld.idx.msk [tilespmem:v18+s14+$0x20 ss:$0x1], $0xffff  }
0x97: {  	v19 =	vadd.f32 v20, v19;
	v20 =	vmul.f32 v26, v25;
	v25 =	vld.idx.msk [tilespmem:v17+s14+$0xFFFFFFF0 ss:$0x1], $0xffff  }
0x98: {  	v26 =	vld.idx.msk [tilespmem:v18+s14+$0x30 ss:$0x1], $0xffff  }
0x99: {  	v19 =	vadd.f32 v20, v19;
	v20 =	vmul.f32 v21, v27;
	v21 =	vld.idx.msk [tilespmem:v17+s14+$0x0 ss:$0x1], $0xffff;
	_ =	sdelay $0x1  }
0x9a: {  	v19 =	vadd.f32 v20, v19;
	v20 =	vmul.f32 v23, v22;
	_ =	sdelay $0x1  }
0x9b: {  	v19 =	vadd.f32 v20, v19;
	v20 =	vmul.f32 v25, v24;
	_ =	sdelay $0x1  }
0x9c: {  	v19 =	vadd.f32 v20, v19;
	v20 =	vmul.f32 v21, v26;
	_ =	sdelay $0x1  }
0x9d: {  	v19 =	vadd.f32 v20, v19  }
.Ltmp2:
0x9e: {  	s13 =	sadd.s32 $0x10, s13;
	(pc) =	sbr.rel @p0 .LBB2_8-.Ltmp2, $4  }
0x9f: {  	s14 =	sshra.s32 s15, $0x2;
	[tilespmem:s13+$0x0] =	vst v19  }
0xa0: {  	v19 =	vld.idx.msk [tilespmem:v17+s14+$0xFFFFFF90 ss:$0x1], $0xffff  }
0xa1: {  	v20 =	vld.idx.msk [tilespmem:v18+s14+$0xFFFFFFC0 ss:$0x1], $0xffff  }
0xa2: {  	s15 =	sadd.s32 $0x200, s15;
	v21 =	vld.idx.msk [tilespmem:v18+s14+$0xFFFFFFD0 ss:$0x1], $0xffff  }
0xa3: {  	_ =	sdelay $0x3  }
0xa4: {  	v22 =	vld.idx.msk [tilespmem:v17+s14+$0xFFFFFFA0 ss:$0x1], $0xffff  }
0xa5: {  	v23 =	vld.idx.msk [tilespmem:v18+s14+$0xFFFFFFE0 ss:$0x1], $0xffff  }
0xa6: {  	v24 =	vld.idx.msk [tilespmem:v17+s14+$0xFFFFFFB0 ss:$0x1], $0xffff  }
0xa7: {  	v25 =	vld.idx.msk [tilespmem:v18+s14+$0xFFFFFFF0 ss:$0x1], $0xffff  }
0xa8: {  	v26 =	vld.idx.msk [tilespmem:v17+s14+$0xFFFFFFC0 ss:$0x1], $0xffff  }
0xa9: {  	v27 =	vld.idx.msk [tilespmem:v18+s14+$0x0 ss:$0x1], $0xffff;
	v19 =	vmul.f32 v19, v20;
	v48 =	vmul.f32 v22, v21  }
0xaa: {  	v49 =	vld.idx.msk [tilespmem:v17+s14+$0xFFFFFFD0 ss:$0x1], $0xffff  }
0xab: {  	v50 =	vld.idx.msk [tilespmem:v18+s14+$0x10 ss:$0x1], $0xffff;
	v51 =	vmul.f32 v24, v23;
	v19 =	vadd.f32 v48, v19  }
0xac: {  	v52 =	vld.idx.msk [tilespmem:v17+s14+$0xFFFFFFE0 ss:$0x1], $0xffff  }
0xad: {  	v53 =	vld.idx.msk [tilespmem:v18+s14+$0x20 ss:$0x1], $0xffff;
	v54 =	vmul.f32 v26, v25;
	v19 =	vadd.f32 v51, v19  }
0xae: {  	v55 =	vld.idx.msk [tilespmem:v17+s14+$0xFFFFFFF0 ss:$0x1], $0xffff  }
0xaf: {  	v18 =	vld.idx.msk [tilespmem:v18+s14+$0x30 ss:$0x1], $0xffff;
	v56 =	vmul.f32 v49, v27;
	v19 =	vadd.f32 v54, v19  }
0xb0: {  	v17 =	vld.idx.msk [tilespmem:v17+s14+$0x0 ss:$0x1], $0xffff  }
0xb1: {  	v57 =	vmul.f32 v52, v50;
	v19 =	vadd.f32 v56, v19;
	_ =	sdelay $0x1  }
0xb2: {  	v58 =	vmul.f32 v55, v53;
	v19 =	vadd.f32 v57, v19;
	_ =	sdelay $0x1  }
0xb3: {  	v17 =	vmul.f32 v17, v18;
	v19 =	vadd.f32 v58, v19;
	_ =	sdelay $0x1  }
0xb4: {  	v17 =	vadd.f32 v17, v19  }
0xb5: {  	s13 =	sadd.s32 $0x10, s13  }
0xb6: {  	[tilespmem:s13+$0x0] =	vst v17  }
0xb7: {  	v17 =	vld.idx.msk [tilespmem:v0+s22+$0x0], $0xffff  }
0xb8: {  	v18 =	vld.idx.msk [tilespmem:v2+s22+$0x0], $0xffff;
	_ =	sdelay $0x1  }
0xb9: {  	v19 =	vld.idx.msk [tilespmem:v3+s22+$0x0], $0xffff;
	_ =	sdelay $0x1  }
0xba: {  	v59 =	vld.idx.msk [tilespmem:v4+s22+$0x0], $0xffff  }
0xbb: {  	v17 =	vadd.f32 v18, v17  }
0xbc: {  	v18 =	vld.idx.msk [tilespmem:v5+s22+$0x0], $0xffff  }
0xbd: {  	v17 =	vadd.f32 v19, v17  }
0xbe: {  	v19 =	vld.idx.msk [tilespmem:v6+s22+$0x0], $0xffff  }
0xbf: {  	v17 =	vadd.f32 v59, v17  }
0xc0: {  	v60 =	vld.idx.msk [tilespmem:v7+s22+$0x0], $0xffff  }
0xc1: {  	v17 =	vadd.f32 v18, v17  }
0xc2: {  	v18 =	vld.idx.msk [tilespmem:v8+s22+$0x0], $0xffff  }
0xc3: {  	v17 =	vadd.f32 v19, v17  }
0xc4: {  	v19 =	vld.idx.msk [tilespmem:v9+s22+$0x0], $0xffff  }
0xc5: {  	v17 =	vadd.f32 v60, v17  }
0xc6: {  	v61 =	vld.idx.msk [tilespmem:v10+s22+$0x0], $0xffff  }
0xc7: {  	v17 =	vadd.f32 v18, v17  }
0xc8: {  	v18 =	vld.idx.msk [tilespmem:v11+s22+$0x0], $0xffff  }
0xc9: {  	v17 =	vadd.f32 v19, v17  }
0xca: {  	v19 =	vld.idx.msk [tilespmem:v12+s22+$0x0], $0xffff  }
0xcb: {  	v17 =	vadd.f32 v61, v17  }
0xcc: {  	v62 =	vld.idx.msk [tilespmem:v13+s22+$0x0], $0xffff  }
0xcd: {  	v17 =	vadd.f32 v18, v17  }
0xce: {  	v18 =	vld.idx.msk [tilespmem:v14+s22+$0x0], $0xffff  }
0xcf: {  	v17 =	vadd.f32 v19, v17  }
0xd0: {  	v19 =	vld.idx.msk [tilespmem:v15+s22+$0x0], $0xffff  }
0xd1: {  	v17 =	vadd.f32 v62, v17  }
0xd2: {  	v63 =	vld.idx.msk [tilespmem:v16+s22+$0x0], $0xffff  }
0xd3: {  	v17 =	vadd.f32 v18, v17;
	_ =	sdelay $0x1  }
0xd4: {  	v17 =	vadd.f32 v19, v17;
	_ =	sdelay $0x1  }
0xd5: {  	v17 =	vadd.f32 v63, v17;
	_ =	sdelay $0x1  }
0xd6: {  	v18 =	vmul.f32 $2.000000030e-01, v17  }
0xd7: {  	vm0 =	vge.f32 v17, $0.0e+00  }
0xd8: {  	v17 =	vsel vm0, v17, v18  }
0xd9: {  	v17 =	vmul.f32 $1.442695020e+00, v17;
	_ =	sdelay $0x1  }
0xda: {  	(erf) = vpow2.f32 v17;
	_ =	sdelay $0x1  }
0xdb: {  	s15 =	sshll.u32 s12, $0x4  }
0xdc: {  	v17 =	vld [tilespmem:s15+$0x100];
	_ =	sdelay $0x1  }
0xdd: {  	s12 =	sadd.s32 $0x1, s12  }
0xde: {  	p0 =	sne.s32 s12, $0x5  }
.Ltmp3:
0xdf: {  	_ = 	snop;
	(pc) =	sbr.rel @p0 .LBB2_7-.Ltmp3, $4  }
0xe0: {  	_ = 	snop  }
0xe1: {  	v18 =	vpop (erf)  }
0xe2: {  	[tilespmem:s15+$0x5280] =	vst v18  }
0xe3: {  	s4 =	sadd.s32 $0x800, s4;
	s11 =	sadd.s32 $0x800, s11;
	[tilespmem:v17+s28+$0x0] =	vst.idx.add.f32.msk $0xffff, v18  }
0xe4: {  	s4 =	simm.s32 $0x0  }
0xe5: {  	v17 =	vmov s4  }
0xe6: {  	s4 =	simm.s32 $0x1C0  }
0xe7: {  	v21 =	vld [tilespmem:s4+$0x30]  }
0xe8: {  	v24 =	vld [tilespmem:s4+$0x10]  }
0xe9: {  	v22 =	vld [tilespmem:s4+$0xFFFFFFC0]  }
0xea: {  	v18 =	vld.idx.msk [tilespmem:v17+s29+$0x0], $0xffff  }
0xeb: {  	v26 =	vld [tilespmem:s4+$0xFFFFFFE0]  }
0xec: {  	v19 =	vld [tilespmem:s4+$0x20]  }
0xed: {  	v20 =	vld [tilespmem:s4+$0xFFFFFFD0]  }
0xee: {  	v17 =	vld [tilespmem:s4+$0xFFFFFFF0]  }
0xef: {  	v25 =	vmul.f32 v21, v18;
	v21 =	vld [tilespmem:s4+$0x0]  }
0xf0: {  	v23 =	vmul.f32 v22, v18  }
0xf1: {  	s11 =	simm.s32 $0x1;
	s12 =	simm.s32 $0x1C0;
	v22 =	vmul.f32 v26, v18;
	v24 =	vmul.f32 v24, v18  }
.LBB2_11:
0xf2: {  	p0 =	sne.s32 s11, $0x4F  }
0xf3: {  	v20 =	vmul.f32 v20, v18;
	v19 =	vmul.f32 v19, v18;
	[tilespmem:s4+$0x30] =	vst v25;
	s12 =	sadd.s32 $0x80, s12;
	s13 =	smov.u32 s11;
	s11 =	sadd.s32 $0x1, s11  }
0xf4: {  	[tilespmem:s4+$0xFFFFFFC0] =	vst v23;
	v23 =	vmul.f32 v17, v18;
	v18 =	vmul.f32 v21, v18  }
0xf5: {  	[tilespmem:s4+$0x10] =	vst v24  }
0xf6: {  	v21 =	vmov s13;
	[tilespmem:s4+$0xFFFFFFE0] =	vst v22  }
0xf7: {  	v17 =	vld [tilespmem:s12+$0xFFFFFFF0];
	[tilespmem:s4+$0xFFFFFFF0] =	vst v23  }
0xf8: {  	v22 =	vld [tilespmem:s12+$0x30];
	[tilespmem:s4+$0x0] =	vst v18  }
0xf9: {  	v24 =	vld [tilespmem:s12+$0x10];
	[tilespmem:s4+$0x20] =	vst v19  }
0xfa: {  	v23 =	vld [tilespmem:s12+$0xFFFFFFC0];
	[tilespmem:s4+$0xFFFFFFD0] =	vst v20;
	s4 =	smov.u32 s12  }
0xfb: {  	v18 =	vld.idx.msk [tilespmem:v21+s29+$0x0], $0xffff  }
0xfc: {  	v26 =	vld [tilespmem:s12+$0xFFFFFFE0]  }
0xfd: {  	v19 =	vld [tilespmem:s12+$0x20]  }
.Ltmp4:
0xfe: {  	v20 =	vld [tilespmem:s12+$0xFFFFFFD0];
	(pc) =	sbr.rel @p0 .LBB2_11-.Ltmp4, $3  }
0xff: {  	v21 =	vld [tilespmem:s12+$0x0];
	_ =	sdelay $0x1  }
0x100: {  	v23 =	vmul.f32 v23, v18;
	v25 =	vmul.f32 v22, v18  }
0x101: {  	v24 =	vmul.f32 v24, v18;
	v22 =	vmul.f32 v26, v18  }
0x102: {  	[tilespmem:s4+$0x30] =	vst v25  }
0x103: {  	[tilespmem:s4+$0xFFFFFFC0] =	vst v23  }
0x104: {  	v17 =	vmul.f32 v17, v18;
	[tilespmem:s4+$0x10] =	vst v24  }
0x105: {  	v19 =	vmul.f32 v19, v18;
	[tilespmem:s4+$0xFFFFFFE0] =	vst v22  }
0x106: {  	v21 =	vmul.f32 v21, v18;
	[tilespmem:s4+$0xFFFFFFF0] =	vst v17  }
0x107: {  	s31 =	sadd.s32 $0x1, s31;
	v17 =	vmul.f32 v20, v18;
	[tilespmem:s4+$0x20] =	vst v19  }
0x108: {  	p0 =	sne.s32 s31, $0xFA;
	[tilespmem:s4+$0x0] =	vst v21  }
.Ltmp5:
0x109: {  	[tilespmem:s4+$0xFFFFFFD0] =	vst v17;
	(pc) =	sbr.rel @p0 .LBB2_6-.Ltmp5, $4  }
0x10a: {  	[spmem:s3] =	stream.indirect.scatter.add.f32 [tilespmem:s17], [sflag:$0x3], $0x80, s26, s10, $0xb8;
	[tilespmem:$0x1E300] =	vst v63  }
0x10b: {  	_ =	swait.ge [sflag:s23], $0x2800  }
0x10c: {  	[sflag:s23] =	ssyncset.done $0x0  }
0x10d: {  	[sflag:s23] =	ssyncadd.s32 $0xFFFFD800  }
0x10e: {  	[bflag:$0x0] =	sbarrier.arrive $0xFFFF  }
0x10f: {  	s31 =	simm.s32 $0x0;
	s0 =	simm.s32 $0x5300;
	s4 =	rddreg [dreg:$0xb]  }
0x110: {  	[hbm4b:s4+s31] =	stream.linear.scatter [tilespmem:s0], [sflag:$0x3], $0x2800, $0x38;
	[tilespmem:$0x1E300] =	vst v63  }
0x111: {  	_ =	swait.ge [sflag:s23], $0x2800  }
0x112: {  	[sflag:s23] =	ssyncset.done $0x0  }
0x113: {  	[sflag:s23] =	ssyncadd.s32 $0xFFFFD800  }
0x114: {  	s14 =	simm.s32 $0x7B00;
	[bflag:$0x0] =	sbarrier.arrive $0xFFFF  }
0x115: {  	[tilespmem:s14], [sflag:$0x3] =	stream.linear.gather [hbm4b:s18+s31], $0x80, $0x38;
	[tilespmem:$0x1E300] =	vst v63  }
0x116: {  	s15 =	sadd.s32 $0x10, s18;
	s11 =	simm.s32 $0x7F00  }
0x117: {  	[tilespmem:s11], [sflag:$0x3] =	stream.linear.gather [hbm4b:s15+s31], $0x80, $0x38;
	[tilespmem:$0x1E300] =	vst v63  }
0x118: {  	s12 =	sadd.s32 $0x20, s18;
	s13 =	simm.s32 $0x8300  }
0x119: {  	[tilespmem:s13], [sflag:$0x3] =	stream.linear.gather [hbm4b:s12+s31], $0x80, $0x38;
	[tilespmem:$0x1E300] =	vst v63  }
0x11a: {  	s14 =	sadd.s32 $0x30, s18;
	s15 =	simm.s32 $0x8700  }
0x11b: {  	[tilespmem:s15], [sflag:$0x3] =	stream.linear.gather [hbm4b:s14+s31], $0x80, $0x38;
	[tilespmem:$0x1E300] =	vst v63  }
0x11c: {  	s12 =	sadd.s32 $0x40, s18;
	s13 =	simm.s32 $0x8B00  }
0x11d: {  	[tilespmem:s13], [sflag:$0x3] =	stream.linear.gather [hbm4b:s12+s31], $0x80, $0x38;
	[tilespmem:$0x1E300] =	vst v63  }
0x11e: {  	_ =	swait.ge [sflag:s23], $0x280  }
0x11f: {  	[sflag:s23] =	ssyncset.done $0x0  }
0x120: {  	s14 =	simm.s32 $0x7B80;
	s11 =	rddreg [dreg:$0xc];
	[sflag:s23] =	ssyncadd.s32 $0xFFFFFD80  }
0x121: {  	[tilespmem:s14], [sflag:$0x3] =	stream.linear.gather [hbm4b:s11+s31], $0x80, $0x38;
	[tilespmem:$0x1E300] =	vst v63  }
0x122: {  	s12 =	simm.s32 $0x7F80;
	s15 =	sadd.s32 $0x10, s11  }
0x123: {  	[tilespmem:s12], [sflag:$0x3] =	stream.linear.gather [hbm4b:s15+s31], $0x80, $0x38;
	[tilespmem:$0x1E300] =	vst v63  }
0x124: {  	s13 =	simm.s32 $0x8380;
	s12 =	sadd.s32 $0x20, s11  }
0x125: {  	[tilespmem:s13], [sflag:$0x3] =	stream.linear.gather [hbm4b:s12+s31], $0x80, $0x38;
	[tilespmem:$0x1E300] =	vst v63  }
0x126: {  	s14 =	sadd.s32 $0x30, s11;
	s15 =	simm.s32 $0x8780  }
0x127: {  	[tilespmem:s15], [sflag:$0x3] =	stream.linear.gather [hbm4b:s14+s31], $0x80, $0x38;
	[tilespmem:$0x1E300] =	vst v63  }
0x128: {  	s11 =	sadd.s32 $0x40, s11;
	s12 =	simm.s32 $0x8B80  }
0x129: {  	[tilespmem:s12], [sflag:$0x3] =	stream.linear.gather [hbm4b:s11+s31], $0x80, $0x38;
	[tilespmem:$0x1E300] =	vst v63  }
0x12a: {  	_ =	swait.ge [sflag:s23], $0x280  }
0x12b: {  	[sflag:s23] =	ssyncset.done $0x0  }
0x12c: {  	s13 =	simm.s32 $0x7C00;
	s11 =	rddreg [dreg:$0xd];
	[sflag:s23] =	ssyncadd.s32 $0xFFFFFD80  }
0x12d: {  	[tilespmem:s13], [sflag:$0x3] =	stream.linear.gather [hbm4b:s11+s31], $0x80, $0x38;
	[tilespmem:$0x1E300] =	vst v63  }
0x12e: {  	s15 =	simm.s32 $0x8000;
	s14 =	sadd.s32 $0x10, s11  }
0x12f: {  	[tilespmem:s15], [sflag:$0x3] =	stream.linear.gather [hbm4b:s14+s31], $0x80, $0x38;
	[tilespmem:$0x1E300] =	vst v63  }
0x130: {  	s12 =	sadd.s32 $0x20, s11;
	s13 =	simm.s32 $0x8400  }
0x131: {  	[tilespmem:s13], [sflag:$0x3] =	stream.linear.gather [hbm4b:s12+s31], $0x80, $0x38;
	[tilespmem:$0x1E300] =	vst v63  }
0x132: {  	s14 =	sadd.s32 $0x30, s11;
	s15 =	simm.s32 $0x8800  }
0x133: {  	[tilespmem:s15], [sflag:$0x3] =	stream.linear.gather [hbm4b:s14+s31], $0x80, $0x38;
	[tilespmem:$0x1E300] =	vst v63  }
0x134: {  	s11 =	sadd.s32 $0x40, s11;
	s12 =	simm.s32 $0x8C00  }
0x135: {  	[tilespmem:s12], [sflag:$0x3] =	stream.linear.gather [hbm4b:s11+s31], $0x80, $0x38;
	[tilespmem:$0x1E300] =	vst v63  }
0x136: {  	_ =	swait.ge [sflag:s23], $0x280  }
0x137: {  	[sflag:s23] =	ssyncset.done $0x0  }
0x138: {  	s13 =	simm.s32 $0x7C80;
	s11 =	rddreg [dreg:$0xe];
	[sflag:s23] =	ssyncadd.s32 $0xFFFFFD80  }
0x139: {  	[tilespmem:s13], [sflag:$0x3] =	stream.linear.gather [hbm4b:s11+s31], $0x80, $0x38;
	[tilespmem:$0x1E300] =	vst v63  }
0x13a: {  	s15 =	simm.s32 $0x8080;
	s14 =	sadd.s32 $0x10, s11  }
0x13b: {  	[tilespmem:s15], [sflag:$0x3] =	stream.linear.gather [hbm4b:s14+s31], $0x80, $0x38;
	[tilespmem:$0x1E300] =	vst v63  }
0x13c: {  	s12 =	sadd.s32 $0x20, s11;
	s13 =	simm.s32 $0x8480  }
0x13d: {  	[tilespmem:s13], [sflag:$0x3] =	stream.linear.gather [hbm4b:s12+s31], $0x80, $0x38;
	[tilespmem:$0x1E300] =	vst v63  }
0x13e: {  	s14 =	sadd.s32 $0x30, s11;
	s15 =	simm.s32 $0x8880  }
0x13f: {  	[tilespmem:s15], [sflag:$0x3] =	stream.linear.gather [hbm4b:s14+s31], $0x80, $0x38;
	[tilespmem:$0x1E300] =	vst v63  }
0x140: {  	s11 =	sadd.s32 $0x40, s11;
	s12 =	simm.s32 $0x8C80  }
0x141: {  	[tilespmem:s12], [sflag:$0x3] =	stream.linear.gather [hbm4b:s11+s31], $0x80, $0x38;
	[tilespmem:$0x1E300] =	vst v63  }
0x142: {  	_ =	swait.ge [sflag:s23], $0x280  }
0x143: {  	[sflag:s23] =	ssyncset.done $0x0  }
0x144: {  	s13 =	simm.s32 $0x7D00;
	s11 =	rddreg [dreg:$0x13];
	[sflag:s23] =	ssyncadd.s32 $0xFFFFFD80  }
0x145: {  	[tilespmem:s13], [sflag:$0x3] =	stream.linear.gather [hbm4b:s11+s31], $0x80, $0x38;
	[tilespmem:$0x1E300] =	vst v63  }
0x146: {  	s15 =	simm.s32 $0x8100;
	s14 =	sadd.s32 $0x10, s11  }
0x147: {  	[tilespmem:s15], [sflag:$0x3] =	stream.linear.gather [hbm4b:s14+s31], $0x80, $0x38;
	[tilespmem:$0x1E300] =	vst v63  }
0x148: {  	s12 =	sadd.s32 $0x20, s11;
	s13 =	simm.s32 $0x8500  }
0x149: {  	[tilespmem:s13], [sflag:$0x3] =	stream.linear.gather [hbm4b:s12+s31], $0x80, $0x38;
	[tilespmem:$0x1E300] =	vst v63  }
0x14a: {  	s14 =	sadd.s32 $0x30, s11;
	s15 =	simm.s32 $0x8900  }
0x14b: {  	[tilespmem:s15], [sflag:$0x3] =	stream.linear.gather [hbm4b:s14+s31], $0x80, $0x38;
	[tilespmem:$0x1E300] =	vst v63  }
0x14c: {  	s11 =	sadd.s32 $0x40, s11;
	s12 =	simm.s32 $0x8D00  }
0x14d: {  	[tilespmem:s12], [sflag:$0x3] =	stream.linear.gather [hbm4b:s11+s31], $0x80, $0x38;
	[tilespmem:$0x1E300] =	vst v63  }
0x14e: {  	_ =	swait.ge [sflag:s23], $0x280  }
0x14f: {  	[sflag:s23] =	ssyncset.done $0x0  }
0x150: {  	s13 =	simm.s32 $0x7D80;
	s11 =	rddreg [dreg:$0x14];
	[sflag:s23] =	ssyncadd.s32 $0xFFFFFD80  }
0x151: {  	[tilespmem:s13], [sflag:$0x3] =	stream.linear.gather [hbm4b:s11+s31], $0x80, $0x38;
	[tilespmem:$0x1E300] =	vst v63  }
0x152: {  	s15 =	simm.s32 $0x8180;
	s14 =	sadd.s32 $0x10, s11  }
0x153: {  	[tilespmem:s15], [sflag:$0x3] =	stream.linear.gather [hbm4b:s14+s31], $0x80, $0x38;
	[tilespmem:$0x1E300] =	vst v63  }
0x154: {  	s12 =	sadd.s32 $0x20, s11;
	s13 =	simm.s32 $0x8580  }
0x155: {  	[tilespmem:s13], [sflag:$0x3] =	stream.linear.gather [hbm4b:s12+s31], $0x80, $0x38;
	[tilespmem:$0x1E300] =	vst v63  }
0x156: {  	s14 =	sadd.s32 $0x30, s11;
	s15 =	simm.s32 $0x8980  }
0x157: {  	[tilespmem:s15], [sflag:$0x3] =	stream.linear.gather [hbm4b:s14+s31], $0x80, $0x38;
	[tilespmem:$0x1E300] =	vst v63  }
0x158: {  	s11 =	sadd.s32 $0x40, s11;
	s12 =	simm.s32 $0x8D80  }
0x159: {  	[tilespmem:s12], [sflag:$0x3] =	stream.linear.gather [hbm4b:s11+s31], $0x80, $0x38;
	[tilespmem:$0x1E300] =	vst v63  }
0x15a: {  	_ =	swait.ge [sflag:s23], $0x280  }
0x15b: {  	[sflag:s23] =	ssyncset.done $0x0  }
0x15c: {  	s13 =	simm.s32 $0x7E00;
	s11 =	rddreg [dreg:$0x15];
	[sflag:s23] =	ssyncadd.s32 $0xFFFFFD80  }
0x15d: {  	[tilespmem:s13], [sflag:$0x3] =	stream.linear.gather [hbm4b:s11+s31], $0x80, $0x38;
	[tilespmem:$0x1E300] =	vst v63  }
0x15e: {  	s15 =	simm.s32 $0x8200;
	s14 =	sadd.s32 $0x10, s11  }
0x15f: {  	[tilespmem:s15], [sflag:$0x3] =	stream.linear.gather [hbm4b:s14+s31], $0x80, $0x38;
	[tilespmem:$0x1E300] =	vst v63  }
0x160: {  	s12 =	sadd.s32 $0x20, s11;
	s13 =	simm.s32 $0x8600  }
0x161: {  	[tilespmem:s13], [sflag:$0x3] =	stream.linear.gather [hbm4b:s12+s31], $0x80, $0x38;
	[tilespmem:$0x1E300] =	vst v63  }
0x162: {  	s14 =	sadd.s32 $0x30, s11;
	s15 =	simm.s32 $0x8A00  }
0x163: {  	[tilespmem:s15], [sflag:$0x3] =	stream.linear.gather [hbm4b:s14+s31], $0x80, $0x38;
	[tilespmem:$0x1E300] =	vst v63  }
0x164: {  	s11 =	sadd.s32 $0x40, s11;
	s12 =	simm.s32 $0x8E00  }
0x165: {  	[tilespmem:s12], [sflag:$0x3] =	stream.linear.gather [hbm4b:s11+s31], $0x80, $0x38;
	[tilespmem:$0x1E300] =	vst v63  }
0x166: {  	_ =	swait.ge [sflag:s23], $0x280  }
0x167: {  	[sflag:s23] =	ssyncset.done $0x0  }
0x168: {  	s13 =	simm.s32 $0x7E80;
	s11 =	rddreg [dreg:$0x16];
	[sflag:s23] =	ssyncadd.s32 $0xFFFFFD80  }
0x169: {  	[tilespmem:s13], [sflag:$0x3] =	stream.linear.gather [hbm4b:s11+s31], $0x80, $0x38;
	[tilespmem:$0x1E300] =	vst v63  }
0x16a: {  	s15 =	simm.s32 $0x8280;
	s14 =	sadd.s32 $0x10, s11  }
0x16b: {  	[tilespmem:s15], [sflag:$0x3] =	stream.linear.gather [hbm4b:s14+s31], $0x80, $0x38;
	[tilespmem:$0x1E300] =	vst v63  }
0x16c: {  	s12 =	sadd.s32 $0x20, s11;
	s13 =	simm.s32 $0x8680  }
0x16d: {  	[tilespmem:s13], [sflag:$0x3] =	stream.linear.gather [hbm4b:s12+s31], $0x80, $0x38;
	[tilespmem:$0x1E300] =	vst v63  }
0x16e: {  	s14 =	sadd.s32 $0x30, s11;
	s15 =	simm.s32 $0x8A80  }
0x16f: {  	[tilespmem:s15], [sflag:$0x3] =	stream.linear.gather [hbm4b:s14+s31], $0x80, $0x38;
	[tilespmem:$0x1E300] =	vst v63  }
0x170: {  	s11 =	sadd.s32 $0x40, s11;
	s12 =	simm.s32 $0x8E80  }
0x171: {  	[tilespmem:s12], [sflag:$0x3] =	stream.linear.gather [hbm4b:s11+s31], $0x80, $0x38;
	[tilespmem:$0x1E300] =	vst v63  }
0x172: {  	_ =	swait.ge [sflag:s23], $0x280  }
0x173: {  	[sflag:s23] =	ssyncset.done $0x0  }
0x174: {  	s13 =	simm.s32 $0x8F00;
	s11 =	rddreg [dreg:$0xf];
	[sflag:s23] =	ssyncadd.s32 $0xFFFFFD80  }
0x175: {  	[tilespmem:s13], [sflag:$0x3] =	stream.linear.gather [hbm4b:s11+s31], $0x80, $0x38;
	[tilespmem:$0x1E300] =	vst v63  }
0x176: {  	s15 =	simm.s32 $0x9300;
	s14 =	sadd.s32 $0x10, s11  }
0x177: {  	[tilespmem:s15], [sflag:$0x3] =	stream.linear.gather [hbm4b:s14+s31], $0x80, $0x38;
	[tilespmem:$0x1E300] =	vst v63  }
0x178: {  	s12 =	sadd.s32 $0x20, s11;
	s13 =	simm.s32 $0x9700  }
0x179: {  	[tilespmem:s13], [sflag:$0x3] =	stream.linear.gather [hbm4b:s12+s31], $0x80, $0x38;
	[tilespmem:$0x1E300] =	vst v63  }
0x17a: {  	s14 =	sadd.s32 $0x30, s11;
	s15 =	simm.s32 $0x9B00  }
0x17b: {  	[tilespmem:s15], [sflag:$0x3] =	stream.linear.gather [hbm4b:s14+s31], $0x80, $0x38;
	[tilespmem:$0x1E300] =	vst v63  }
0x17c: {  	s11 =	sadd.s32 $0x40, s11;
	s12 =	simm.s32 $0x9F00  }
0x17d: {  	[tilespmem:s12], [sflag:$0x3] =	stream.linear.gather [hbm4b:s11+s31], $0x80, $0x38;
	[tilespmem:$0x1E300] =	vst v63  }
0x17e: {  	_ =	swait.ge [sflag:s23], $0x280  }
0x17f: {  	[sflag:s23] =	ssyncset.done $0x0  }
0x180: {  	s13 =	simm.s32 $0x8F80;
	s11 =	rddreg [dreg:$0x17];
	[sflag:s23] =	ssyncadd.s32 $0xFFFFFD80  }
0x181: {  	[tilespmem:s13], [sflag:$0x3] =	stream.linear.gather [hbm4b:s11+s31], $0x80, $0x38;
	[tilespmem:$0x1E300] =	vst v63  }
0x182: {  	s15 =	simm.s32 $0x9380;
	s14 =	sadd.s32 $0x10, s11  }
0x183: {  	[tilespmem:s15], [sflag:$0x3] =	stream.linear.gather [hbm4b:s14+s31], $0x80, $0x38;
	[tilespmem:$0x1E300] =	vst v63  }
0x184: {  	s12 =	sadd.s32 $0x20, s11;
	s13 =	simm.s32 $0x9780  }
0x185: {  	[tilespmem:s13], [sflag:$0x3] =	stream.linear.gather [hbm4b:s12+s31], $0x80, $0x38;
	[tilespmem:$0x1E300] =	vst v63  }
0x186: {  	s14 =	sadd.s32 $0x30, s11;
	s15 =	simm.s32 $0x9B80  }
0x187: {  	[tilespmem:s15], [sflag:$0x3] =	stream.linear.gather [hbm4b:s14+s31], $0x80, $0x38;
	[tilespmem:$0x1E300] =	vst v63  }
0x188: {  	s11 =	sadd.s32 $0x40, s11;
	s12 =	simm.s32 $0x9F80  }
0x189: {  	[tilespmem:s12], [sflag:$0x3] =	stream.linear.gather [hbm4b:s11+s31], $0x80, $0x38;
	[tilespmem:$0x1E300] =	vst v63  }
0x18a: {  	_ =	swait.ge [sflag:s23], $0x280  }
0x18b: {  	[sflag:s23] =	ssyncset.done $0x0  }
0x18c: {  	s13 =	simm.s32 $0x9000;
	s11 =	rddreg [dreg:$0x18];
	[sflag:s23] =	ssyncadd.s32 $0xFFFFFD80  }
0x18d: {  	[tilespmem:s13], [sflag:$0x3] =	stream.linear.gather [hbm4b:s11+s31], $0x80, $0x38;
	[tilespmem:$0x1E300] =	vst v63  }
0x18e: {  	s15 =	simm.s32 $0x9400;
	s14 =	sadd.s32 $0x10, s11  }
0x18f: {  	[tilespmem:s15], [sflag:$0x3] =	stream.linear.gather [hbm4b:s14+s31], $0x80, $0x38;
	[tilespmem:$0x1E300] =	vst v63  }
0x190: {  	s12 =	sadd.s32 $0x20, s11;
	s13 =	simm.s32 $0x9800  }
0x191: {  	[tilespmem:s13], [sflag:$0x3] =	stream.linear.gather [hbm4b:s12+s31], $0x80, $0x38;
	[tilespmem:$0x1E300] =	vst v63  }
0x192: {  	s14 =	sadd.s32 $0x30, s11;
	s15 =	simm.s32 $0x9C00  }
0x193: {  	[tilespmem:s15], [sflag:$0x3] =	stream.linear.gather [hbm4b:s14+s31], $0x80, $0x38;
	[tilespmem:$0x1E300] =	vst v63  }
0x194: {  	s11 =	sadd.s32 $0x40, s11;
	s12 =	simm.s32 $0xA000  }
0x195: {  	[tilespmem:s12], [sflag:$0x3] =	stream.linear.gather [hbm4b:s11+s31], $0x80, $0x38;
	[tilespmem:$0x1E300] =	vst v63  }
0x196: {  	_ =	swait.ge [sflag:s23], $0x280  }
0x197: {  	[sflag:s23] =	ssyncset.done $0x0  }
0x198: {  	s13 =	simm.s32 $0x9080;
	s11 =	rddreg [dreg:$0x19];
	[sflag:s23] =	ssyncadd.s32 $0xFFFFFD80  }
0x199: {  	[tilespmem:s13], [sflag:$0x3] =	stream.linear.gather [hbm4b:s11+s31], $0x80, $0x38;
	[tilespmem:$0x1E300] =	vst v63  }
0x19a: {  	s15 =	simm.s32 $0x9480;
	s14 =	sadd.s32 $0x10, s11  }
0x19b: {  	[tilespmem:s15], [sflag:$0x3] =	stream.linear.gather [hbm4b:s14+s31], $0x80, $0x38;
	[tilespmem:$0x1E300] =	vst v63  }
0x19c: {  	s12 =	sadd.s32 $0x20, s11;
	s13 =	simm.s32 $0x9880  }
0x19d: {  	[tilespmem:s13], [sflag:$0x3] =	stream.linear.gather [hbm4b:s12+s31], $0x80, $0x38;
	[tilespmem:$0x1E300] =	vst v63  }
0x19e: {  	s14 =	sadd.s32 $0x30, s11;
	s15 =	simm.s32 $0x9C80  }
0x19f: {  	[tilespmem:s15], [sflag:$0x3] =	stream.linear.gather [hbm4b:s14+s31], $0x80, $0x38;
	[tilespmem:$0x1E300] =	vst v63  }
0x1a0: {  	s11 =	sadd.s32 $0x40, s11;
	s12 =	simm.s32 $0xA080  }
0x1a1: {  	[tilespmem:s12], [sflag:$0x3] =	stream.linear.gather [hbm4b:s11+s31], $0x80, $0x38;
	[tilespmem:$0x1E300] =	vst v63  }
0x1a2: {  	_ =	swait.ge [sflag:s23], $0x280  }
0x1a3: {  	[sflag:s23] =	ssyncset.done $0x0  }
0x1a4: {  	s13 =	simm.s32 $0x9100;
	s11 =	rddreg [dreg:$0x1a];
	[sflag:s23] =	ssyncadd.s32 $0xFFFFFD80  }
0x1a5: {  	[tilespmem:s13], [sflag:$0x3] =	stream.linear.gather [hbm4b:s11+s31], $0x80, $0x38;
	[tilespmem:$0x1E300] =	vst v63  }
0x1a6: {  	s15 =	simm.s32 $0x9500;
	s14 =	sadd.s32 $0x10, s11  }
0x1a7: {  	[tilespmem:s15], [sflag:$0x3] =	stream.linear.gather [hbm4b:s14+s31], $0x80, $0x38;
	[tilespmem:$0x1E300] =	vst v63  }
0x1a8: {  	s12 =	sadd.s32 $0x20, s11;
	s13 =	simm.s32 $0x9900  }
0x1a9: {  	[tilespmem:s13], [sflag:$0x3] =	stream.linear.gather [hbm4b:s12+s31], $0x80, $0x38;
	[tilespmem:$0x1E300] =	vst v63  }
0x1aa: {  	s14 =	sadd.s32 $0x30, s11;
	s15 =	simm.s32 $0x9D00  }
0x1ab: {  	[tilespmem:s15], [sflag:$0x3] =	stream.linear.gather [hbm4b:s14+s31], $0x80, $0x38;
	[tilespmem:$0x1E300] =	vst v63  }
0x1ac: {  	s11 =	sadd.s32 $0x40, s11;
	s12 =	simm.s32 $0xA100  }
0x1ad: {  	[tilespmem:s12], [sflag:$0x3] =	stream.linear.gather [hbm4b:s11+s31], $0x80, $0x38;
	[tilespmem:$0x1E300] =	vst v63  }
0x1ae: {  	_ =	swait.ge [sflag:s23], $0x280  }
0x1af: {  	[sflag:s23] =	ssyncset.done $0x0  }
0x1b0: {  	s13 =	simm.s32 $0x9180;
	s11 =	rddreg [dreg:$0x1b];
	[sflag:s23] =	ssyncadd.s32 $0xFFFFFD80  }
0x1b1: {  	[tilespmem:s13], [sflag:$0x3] =	stream.linear.gather [hbm4b:s11+s31], $0x80, $0x38;
	[tilespmem:$0x1E300] =	vst v63  }
0x1b2: {  	s15 =	simm.s32 $0x9580;
	s14 =	sadd.s32 $0x10, s11  }
0x1b3: {  	[tilespmem:s15], [sflag:$0x3] =	stream.linear.gather [hbm4b:s14+s31], $0x80, $0x38;
	[tilespmem:$0x1E300] =	vst v63  }
0x1b4: {  	s12 =	sadd.s32 $0x20, s11;
	s13 =	simm.s32 $0x9980  }
0x1b5: {  	[tilespmem:s13], [sflag:$0x3] =	stream.linear.gather [hbm4b:s12+s31], $0x80, $0x38;
	[tilespmem:$0x1E300] =	vst v63  }
0x1b6: {  	s14 =	sadd.s32 $0x30, s11;
	s15 =	simm.s32 $0x9D80  }
0x1b7: {  	[tilespmem:s15], [sflag:$0x3] =	stream.linear.gather [hbm4b:s14+s31], $0x80, $0x38;
	[tilespmem:$0x1E300] =	vst v63  }
0x1b8: {  	s11 =	sadd.s32 $0x40, s11;
	s12 =	simm.s32 $0xA180  }
0x1b9: {  	[tilespmem:s12], [sflag:$0x3] =	stream.linear.gather [hbm4b:s11+s31], $0x80, $0x38;
	[tilespmem:$0x1E300] =	vst v63  }
0x1ba: {  	_ =	swait.ge [sflag:s23], $0x280  }
0x1bb: {  	[sflag:s23] =	ssyncset.done $0x0  }
0x1bc: {  	s13 =	simm.s32 $0x9200;
	s11 =	rddreg [dreg:$0x1c];
	[sflag:s23] =	ssyncadd.s32 $0xFFFFFD80  }
0x1bd: {  	[tilespmem:s13], [sflag:$0x3] =	stream.linear.gather [hbm4b:s11+s31], $0x80, $0x38;
	[tilespmem:$0x1E300] =	vst v63  }
0x1be: {  	s15 =	simm.s32 $0x9600;
	s14 =	sadd.s32 $0x10, s11  }
0x1bf: {  	[tilespmem:s15], [sflag:$0x3] =	stream.linear.gather [hbm4b:s14+s31], $0x80, $0x38;
	[tilespmem:$0x1E300] =	vst v63  }
0x1c0: {  	s12 =	sadd.s32 $0x20, s11;
	s13 =	simm.s32 $0x9A00  }
0x1c1: {  	[tilespmem:s13], [sflag:$0x3] =	stream.linear.gather [hbm4b:s12+s31], $0x80, $0x38;
	[tilespmem:$0x1E300] =	vst v63  }
0x1c2: {  	s14 =	sadd.s32 $0x30, s11;
	s15 =	simm.s32 $0x9E00  }
0x1c3: {  	[tilespmem:s15], [sflag:$0x3] =	stream.linear.gather [hbm4b:s14+s31], $0x80, $0x38;
	[tilespmem:$0x1E300] =	vst v63  }
0x1c4: {  	s13 =	sadd.s32 $0x40, s11;
	s14 =	simm.s32 $0xA200  }
0x1c5: {  	[tilespmem:s14], [sflag:$0x3] =	stream.linear.gather [hbm4b:s13+s31], $0x80, $0x38;
	[tilespmem:$0x1E300] =	vst v63  }
0x1c6: {  	_ =	swait.ge [sflag:s23], $0x280  }
0x1c7: {  	[sflag:s23] =	ssyncset.done $0x0  }
0x1c8: {  	s15 =	simm.s32 $0x9280;
	s11 =	rddreg [dreg:$0x1d];
	[sflag:s23] =	ssyncadd.s32 $0xFFFFFD80  }
0x1c9: {  	[tilespmem:s15], [sflag:$0x3] =	stream.linear.gather [hbm4b:s11+s31], $0x80, $0x38;
	[tilespmem:$0x1E300] =	vst v63  }
0x1ca: {  	s13 =	simm.s32 $0x9680;
	s12 =	sadd.s32 $0x10, s11  }
0x1cb: {  	[tilespmem:s13], [sflag:$0x3] =	stream.linear.gather [hbm4b:s12+s31], $0x80, $0x38;
	[tilespmem:$0x1E300] =	vst v63  }
0x1cc: {  	s14 =	sadd.s32 $0x20, s11;
	s15 =	simm.s32 $0x9A80  }
0x1cd: {  	[tilespmem:s15], [sflag:$0x3] =	stream.linear.gather [hbm4b:s14+s31], $0x80, $0x38;
	[tilespmem:$0x1E300] =	vst v63  }
0x1ce: {  	s12 =	sadd.s32 $0x30, s11;
	s13 =	simm.s32 $0x9E80  }
0x1cf: {  	[tilespmem:s13], [sflag:$0x3] =	stream.linear.gather [hbm4b:s12+s31], $0x80, $0x38;
	[tilespmem:$0x1E300] =	vst v63  }
0x1d0: {  	s14 =	sadd.s32 $0x40, s11;
	s15 =	simm.s32 $0xA280  }
0x1d1: {  	[tilespmem:s15], [sflag:$0x3] =	stream.linear.gather [hbm4b:s14+s31], $0x80, $0x38;
	[tilespmem:$0x1E300] =	vst v63  }
0x1d2: {  	_ =	swait.ge [sflag:s23], $0x280  }
0x1d3: {  	s12 =	sand.u32 $0x70, s31;
	s13 =	sand.u32 $0x1C00, s31;
	[sflag:s23] =	ssyncset.done $0x0  }
0x1d4: {  	s4 =	sor.u32 s12, s13;
	[sflag:s23] =	ssyncadd.s32 $0xFFFFFD80  }
0x1d5: {  	v17 =	vld [tilespmem:s4+$0x7B80]  }
0x1d6: {  	v18 =	vld [tilespmem:s4+$0x7B00];
	_ =	sdelay $0x1  }
0x1d7: {  	v19 =	vld [tilespmem:s4+$0x7C00];
	_ =	sdelay $0x1  }
0x1d8: {  	v20 =	vld [tilespmem:s4+$0x7C80]  }
0x1d9: {  	v17 =	vadd.f32 v17, v18  }
0x1da: {  	v18 =	vld [tilespmem:s4+$0x7D00]  }
0x1db: {  	v17 =	vadd.f32 v19, v17  }
0x1dc: {  	v19 =	vld [tilespmem:s4+$0x7D80]  }
0x1dd: {  	v17 =	vadd.f32 v20, v17  }
0x1de: {  	v60 =	vld [tilespmem:s4+$0x7E00]  }
0x1df: {  	v17 =	vadd.f32 v18, v17  }
0x1e0: {  	v18 =	vld [tilespmem:s4+$0x7E80]  }
0x1e1: {  	v17 =	vadd.f32 v19, v17  }
0x1e2: {  	v19 =	vld [tilespmem:s4+$0x8F00]  }
0x1e3: {  	v17 =	vadd.f32 v60, v17  }
0x1e4: {  	v61 =	vld [tilespmem:s4+$0x8F80]  }
0x1e5: {  	v17 =	vadd.f32 v18, v17  }
0x1e6: {  	v18 =	vld [tilespmem:s4+$0x9000]  }
0x1e7: {  	v17 =	vadd.f32 v19, v17  }
0x1e8: {  	v19 =	vld [tilespmem:s4+$0x9080]  }
0x1e9: {  	v17 =	vadd.f32 v61, v17  }
0x1ea: {  	v62 =	vld [tilespmem:s4+$0x9100]  }
0x1eb: {  	v17 =	vadd.f32 v18, v17  }
0x1ec: {  	v18 =	vld [tilespmem:s4+$0x9180]  }
0x1ed: {  	v17 =	vadd.f32 v19, v17  }
0x1ee: {  	v19 =	vld [tilespmem:s4+$0x9200]  }
0x1ef: {  	v17 =	vadd.f32 v62, v17  }
0x1f0: {  	v63 =	vld [tilespmem:s4+$0x9280]  }
0x1f1: {  	v17 =	vadd.f32 v18, v17;
	_ =	sdelay $0x1  }
0x1f2: {  	v17 =	vadd.f32 v19, v17;
	_ =	sdelay $0x1  }
0x1f3: {  	v17 =	vadd.f32 v63, v17;
	_ =	sdelay $0x1  }
0x1f4: {  	v17 =	vmax.f32 v17, $9.999999710e-10  }
0x1f5: {  	(erf) = vrcp.f32 v17;
	_ =	sdelay $0x7  }
0x1f6: {  	s14 =	simm.s32 $0x10;
	s4 =	simm.s32 $0x80  }
0x1f7: {  	s11 =	sand.u32 $0x70, s14;
	s15 =	sand.u32 $0x1C00, s4;
	v17 =	vpop (erf)  }
0x1f8: {  	s12 =	simm.s32 $0x20;
	s11 =	sor.u32 s11, s15;
	[tilespmem:s0+$0x0] =	vst v17  }
.LBB2_14:
0x1f9: {  	p0 =	sne.s32 s12, $0x270;
	v17 =	vld [tilespmem:s11+$0x7B80]  }
0x1fa: {  	v18 =	vld [tilespmem:s11+$0x7B00];
	_ =	sdelay $0x1  }
0x1fb: {  	v19 =	vld [tilespmem:s11+$0x7C00];
	_ =	sdelay $0x1  }
0x1fc: {  	v20 =	vld [tilespmem:s11+$0x7C80]  }
0x1fd: {  	v17 =	vadd.f32 v17, v18  }
0x1fe: {  	v18 =	vld [tilespmem:s11+$0x7D00]  }
0x1ff: {  	v17 =	vadd.f32 v19, v17  }
0x200: {  	v19 =	vld [tilespmem:s11+$0x7D80]  }
0x201: {  	v17 =	vadd.f32 v20, v17  }
0x202: {  	v20 =	vld [tilespmem:s11+$0x7E00]  }
0x203: {  	v17 =	vadd.f32 v18, v17  }
0x204: {  	v18 =	vld [tilespmem:s11+$0x7E80]  }
0x205: {  	v17 =	vadd.f32 v19, v17  }
0x206: {  	v19 =	vld [tilespmem:s11+$0x8F00]  }
0x207: {  	v17 =	vadd.f32 v20, v17  }
0x208: {  	v20 =	vld [tilespmem:s11+$0x8F80]  }
0x209: {  	v17 =	vadd.f32 v18, v17  }
0x20a: {  	v18 =	vld [tilespmem:s11+$0x9000]  }
0x20b: {  	v17 =	vadd.f32 v19, v17  }
0x20c: {  	v19 =	vld [tilespmem:s11+$0x9080]  }
0x20d: {  	v17 =	vadd.f32 v20, v17  }
0x20e: {  	v20 =	vld [tilespmem:s11+$0x9100]  }
0x20f: {  	v17 =	vadd.f32 v18, v17  }
0x210: {  	v18 =	vld [tilespmem:s11+$0x9180]  }
0x211: {  	v17 =	vadd.f32 v19, v17  }
0x212: {  	v19 =	vld [tilespmem:s11+$0x9200]  }
0x213: {  	v17 =	vadd.f32 v20, v17  }
0x214: {  	v20 =	vld [tilespmem:s11+$0x9280]  }
0x215: {  	v17 =	vadd.f32 v18, v17;
	_ =	sdelay $0x1  }
0x216: {  	v17 =	vadd.f32 v19, v17;
	_ =	sdelay $0x1  }
0x217: {  	v17 =	vadd.f32 v20, v17;
	_ =	sdelay $0x1  }
0x218: {  	v17 =	vmax.f32 v17, $9.999999710e-10  }
0x219: {  	(erf) = vrcp.f32 v17;
	_ =	sdelay $0x5  }
.Ltmp6:
0x21a: {  	(pc) =	sbr.rel @p0 .LBB2_14-.Ltmp6, $4  }
0x21b: {  	_ = 	snop  }
0x21c: {  	s4 =	sadd.s32 $0x80, s4  }
0x21d: {  	s0 =	sadd.s32 $0x10, s0;
	s13 =	sand.u32 $0x1C00, s4;
	s11 =	sand.u32 $0x70, s12;
	v17 =	vpop (erf)  }
0x21e: {  	s12 =	sadd.s32 $0x10, s12;
	s11 =	sor.u32 s11, s13;
	[tilespmem:s0+$0x0] =	vst v17  }
0x21f: {  	v17 =	vld [tilespmem:s11+$0x7B80]  }
0x220: {  	v18 =	vld [tilespmem:s11+$0x7B00];
	_ =	sdelay $0x1  }
0x221: {  	v19 =	vld [tilespmem:s11+$0x7C00];
	_ =	sdelay $0x1  }
0x222: {  	v20 =	vld [tilespmem:s11+$0x7C80]  }
0x223: {  	v17 =	vadd.f32 v17, v18  }
0x224: {  	v18 =	vld [tilespmem:s11+$0x7D00]  }
0x225: {  	v17 =	vadd.f32 v19, v17  }
0x226: {  	v19 =	vld [tilespmem:s11+$0x7D80]  }
0x227: {  	v17 =	vadd.f32 v20, v17  }
0x228: {  	v60 =	vld [tilespmem:s11+$0x7E00]  }
0x229: {  	v17 =	vadd.f32 v18, v17  }
0x22a: {  	v18 =	vld [tilespmem:s11+$0x7E80]  }
0x22b: {  	v17 =	vadd.f32 v19, v17  }
0x22c: {  	v19 =	vld [tilespmem:s11+$0x8F00]  }
0x22d: {  	v17 =	vadd.f32 v60, v17  }
0x22e: {  	v61 =	vld [tilespmem:s11+$0x8F80]  }
0x22f: {  	v17 =	vadd.f32 v18, v17  }
0x230: {  	v18 =	vld [tilespmem:s11+$0x9000]  }
0x231: {  	v17 =	vadd.f32 v19, v17  }
0x232: {  	v19 =	vld [tilespmem:s11+$0x9080]  }
0x233: {  	v17 =	vadd.f32 v61, v17  }
0x234: {  	v62 =	vld [tilespmem:s11+$0x9100]  }
0x235: {  	v17 =	vadd.f32 v18, v17  }
0x236: {  	v18 =	vld [tilespmem:s11+$0x9180]  }
0x237: {  	v17 =	vadd.f32 v19, v17  }
0x238: {  	v19 =	vld [tilespmem:s11+$0x9200]  }
0x239: {  	v17 =	vadd.f32 v62, v17  }
0x23a: {  	v63 =	vld [tilespmem:s11+$0x9280]  }
0x23b: {  	v17 =	vadd.f32 v18, v17;
	_ =	sdelay $0x1  }
0x23c: {  	v17 =	vadd.f32 v19, v17;
	_ =	sdelay $0x1  }
0x23d: {  	v17 =	vadd.f32 v63, v17;
	_ =	sdelay $0x1  }
0x23e: {  	v17 =	vmax.f32 v17, $9.999999710e-10  }
0x23f: {  	(erf) = vrcp.f32 v17;
	_ =	sdelay $0x8  }
0x240: {  	s0 =	sadd.s32 $0x10, s0;
	v17 =	vpop (erf)  }
0x241: {  	[tilespmem:s0+$0x0] =	vst v17;
	s0 =	simm.s32 $0x0  }
.LBB2_16:
0x242: {  	s4 =	smul.u32 $0x50, s0;
	_ =	sdelay $0x1  }
0x243: {  	s4 =	sadd.s32 s9, s4  }
0x244: {  	s4 =	sshll.u32 s4, $0x7  }
0x245: {  	s11 =	sand.u32 $0x3FFFFF80, s4  }
0x246: {  	s11 =	sadd.s32 s11, s3  }
0x247: {  	[tilespmem:s17], [sflag:$0x3] =	stream.linear.gather [spmem:s11], $0x2800, $0x38;
	[tilespmem:$0x1E300] =	vst v63  }
0x248: {  	s15 =	sadd.s32 $0x0, s31;
	_ =	swait.ge [sflag:s23], $0x2800  }
0x249: {  	v17 =	vmov s15;
	[sflag:s23] =	ssyncset.done $0x0  }
0x24a: {  	s11 =	simm.s32 $0x1C0;
	[sflag:s23] =	ssyncadd.s32 $0xFFFFD800  }
0x24b: {  	v21 =	vld [tilespmem:s11+$0x30]  }
0x24c: {  	v24 =	vld [tilespmem:s11+$0x10]  }
0x24d: {  	v22 =	vld [tilespmem:s11+$0xFFFFFFC0]  }
0x24e: {  	v18 =	vld.idx.msk [tilespmem:v17+s28+$0x0], $0xffff  }
0x24f: {  	v26 =	vld [tilespmem:s11+$0xFFFFFFE0]  }
0x250: {  	v17 =	vld [tilespmem:s11+$0xFFFFFFF0]  }
0x251: {  	v19 =	vld [tilespmem:s11+$0x20]  }
0x252: {  	v20 =	vld [tilespmem:s11+$0xFFFFFFD0]  }
0x253: {  	v25 =	vmul.f32 v21, v18;
	v21 =	vld [tilespmem:s11+$0x0]  }
0x254: {  	v23 =	vmul.f32 v22, v18  }
0x255: {  	s12 =	simm.s32 $0x1;
	s13 =	simm.s32 $0x1C0;
	v22 =	vmul.f32 v26, v18;
	v24 =	vmul.f32 v24, v18  }
.LBB2_17:
0x256: {  	p0 =	sne.s32 s12, $0x4F  }
0x257: {  	v20 =	vmul.f32 v20, v18;
	v19 =	vmul.f32 v19, v18;
	[tilespmem:s11+$0x30] =	vst v25;
	s13 =	sadd.s32 $0x80, s13;
	s14 =	smov.u32 s12;
	s12 =	sadd.s32 $0x1, s12  }
0x258: {  	[tilespmem:s11+$0xFFFFFFC0] =	vst v23;
	v23 =	vmul.f32 v17, v18;
	v18 =	vmul.f32 v21, v18  }
0x259: {  	s14 =	sadd.s32 s14, s31;
	[tilespmem:s11+$0x10] =	vst v24  }
0x25a: {  	v21 =	vmov s14;
	[tilespmem:s11+$0xFFFFFFE0] =	vst v22  }
0x25b: {  	v17 =	vld [tilespmem:s13+$0xFFFFFFF0];
	[tilespmem:s11+$0xFFFFFFF0] =	vst v23  }
0x25c: {  	v22 =	vld [tilespmem:s13+$0x30];
	[tilespmem:s11+$0x0] =	vst v18  }
0x25d: {  	v24 =	vld [tilespmem:s13+$0x10];
	[tilespmem:s11+$0x20] =	vst v19  }
0x25e: {  	v23 =	vld [tilespmem:s13+$0xFFFFFFC0];
	[tilespmem:s11+$0xFFFFFFD0] =	vst v20;
	s11 =	smov.u32 s13  }
0x25f: {  	v18 =	vld.idx.msk [tilespmem:v21+s28+$0x0], $0xffff  }
0x260: {  	v26 =	vld [tilespmem:s13+$0xFFFFFFE0]  }
0x261: {  	v19 =	vld [tilespmem:s13+$0x20]  }
.Ltmp7:
0x262: {  	v20 =	vld [tilespmem:s13+$0xFFFFFFD0];
	(pc) =	sbr.rel @p0 .LBB2_17-.Ltmp7, $3  }
0x263: {  	v21 =	vld [tilespmem:s13+$0x0];
	_ =	sdelay $0x1  }
0x264: {  	v23 =	vmul.f32 v23, v18;
	v25 =	vmul.f32 v22, v18  }
0x265: {  	v24 =	vmul.f32 v24, v18;
	v22 =	vmul.f32 v26, v18  }
0x266: {  	[tilespmem:s11+$0x30] =	vst v25  }
0x267: {  	[tilespmem:s11+$0xFFFFFFC0] =	vst v23  }
0x268: {  	v17 =	vmul.f32 v17, v18;
	[tilespmem:s11+$0x10] =	vst v24  }
0x269: {  	v19 =	vmul.f32 v19, v18;
	[tilespmem:s11+$0xFFFFFFE0] =	vst v22  }
0x26a: {  	v21 =	vmul.f32 v21, v18;
	[tilespmem:s11+$0xFFFFFFF0] =	vst v17  }
0x26b: {  	s4 =	sadd.s32 s24, s4;
	s0 =	sadd.s32 $0x1, s0;
	v17 =	vmul.f32 v20, v18;
	[tilespmem:s11+$0x20] =	vst v19  }
0x26c: {  	s4 =	sshrl.u32 s4, $0x3;
	p0 =	sne.s32 s0, $0x8;
	[tilespmem:s11+$0x0] =	vst v21  }
.Ltmp8:
0x26d: {  	s4 =	sadd.s32 s8, s4;
	[tilespmem:s11+$0xFFFFFFD0] =	vst v17;
	(pc) =	sbr.rel @p0 .LBB2_16-.Ltmp8, $4  }
0x26e: {  	[hbm4b:s4+s5] =	stream.linear.scatter [tilespmem:s17], [sflag:$0x3], $0x2800, $0x38;
	[tilespmem:$0x1E300] =	vst v63  }
0x26f: {  	_ =	swait.ge [sflag:s23], $0x2800  }
0x270: {  	[sflag:s23] =	ssyncset.done $0x0  }
0x271: {  	s31 =	sadd.s32 $0x50, s31;
	[sflag:s23] =	ssyncadd.s32 $0xFFFFD800  }
0x272: {  	s30 =	sadd.s32 $0x1, s30;
	s0 =	rddreg [dreg:$0x11]  }
0x273: {  	p0 =	sne.s32 s30, s0  }
.Ltmp9:
0x274: {  	_ = 	snop;
	(pc) =	sbr.rel @p0 .LBB2_1-.Ltmp9, $1  }
0x275: {  	_ =	sdelay $0x3  }
0x276: {  	_ =	sfence.sel $0x180000  }
0x277: {  	[bflag:$0x0] =	sbarrier.arrive $0xFFFF  }
0x278: {  	_ =	strace $0x90000047  }
0x279: {  	s0 =	stileid.u32;
	[bflag:$0x2] =	sbarrier.arrive $0xFFFF  }
0x27a: {  	p0 =	sne.s32 s0, $0x0;
	s0 =	rddreg [dreg:$0x4]  }
0x27b: {  	s0 =	sadd.s32 @!p0 $0x100000, s0  }
0x27c: {  	[sflag:s0] =	ssyncadd.tile.s32 @!p0 $0x1;
	_ =	shalt  }
.Lfunc_end2:
_tile_overlayer_lowered:
.L_overlay_start_2:
0x27d: {  	(tag) =	ssettag $0x2  }
0x27e: {  	s0 =	rddreg [dreg:$0x0];
	s2 =	stileid.u32  }
0x27f: {  	s1 =	rddreg [dreg:$0x1];
	p0 =	sne.s32 s2, $0x0  }
0x280: {  	s3 =	rddreg [dreg:$0x2];
	[bflag:$0x3] =	sbarrier.arrive $0xFFFF;
	s2 =	simm.s32 @!p0 $0x1C03  }
0x281: {  	[timem:s3], [sflag:s2] =	dma.local @!p0 [hbm:s0], s1  }
0x282: {  	s0 =	simm.s32 @!p0 $0x3  }
0x283: {  	_ =	swait.ge @!p0 [sflag:s0], s1  }
0x284: {  	s1 =	ssub.s32 @!p0 $0x0, s1;
	[sflag:s0] =	ssyncset.done @!p0 $0x0  }
0x285: {  	[sflag:s0] =	ssyncadd.s32 @!p0 s1  }
0x286: {  	[bflag:$0x3] =	sbarrier.arrive $0xFFFF  }
0x287: {  	_ =	shalt  }

</sc_bundles>
